<compile_context>
chip_gen: v7x
topology: tpu7x:2x2x1
jax: 0.10.2.dev20260603
libtpu: 0.0.44.dev20260713+nightly
codegen_flags: <defaults>
</compile_context>

<pallas_src>
import functools

import jax
import jax.numpy as jnp
from jax import lax
from jax.experimental import pallas as pl
from jax.experimental.pallas import tpu as pltpu
from jax.experimental.pallas import tpu_sc as plsc

N_E = 8192
E_DIM = 256
BETA = 0.25

_M_TILE = 2048


_DOT_N = 512
_SCAN_N = 128


def _dist_argmin_body(z_ref, w_ref, wn_ref, idx_ref, minv_ref, w2_ref):
    @pl.when(pl.program_id(0) == 0)
    def _():
        w2_ref[...] = (w_ref[...] * -2.0).astype(jnp.bfloat16)

    z = z_ref[...]
    zn = jnp.sum(z * z, axis=1, keepdims=True)
    m = jnp.full((_M_TILE, _SCAN_N), jnp.inf, jnp.float32)
    a = jnp.zeros((_M_TILE, _SCAN_N), jnp.float32)
    for g in range(N_E // _DOT_N):
        zw2 = lax.dot_general(
            z, w2_ref[g * _DOT_N:(g + 1) * _DOT_N, :],
            dimension_numbers=(((1,), (1,)), ((), ())),
            preferred_element_type=jnp.float32,
        )
        for c in range(_DOT_N // _SCAN_N):
            col0 = g * _DOT_N + c * _SCAN_N
            d = ((zn + wn_ref[:, col0:col0 + _SCAN_N])
                 + zw2[:, c * _SCAN_N:(c + 1) * _SCAN_N])
            cmp = d < m
            m = jnp.where(cmp, d, m)
            a = jnp.where(cmp, jnp.float32(col0), a)
    lmin = jnp.min(m, axis=1, keepdims=True)
    lanes = lax.broadcasted_iota(jnp.int32, (_M_TILE, _SCAN_N), 1)
    col = a + lanes.astype(jnp.float32)
    lidx = jnp.min(jnp.where(m == lmin, col, jnp.float32(2 * N_E)), axis=1,
                   keepdims=True)
    idx_ref[...] = lidx.astype(jnp.int32)
    minv_ref[...] = lmin


def _dist_argmin(z_flat, W, wn):
    m = z_flat.shape[0]
    grid = (m // _M_TILE,)
    return pl.pallas_call(
        _dist_argmin_body,
        grid=grid,
        in_specs=[
            pl.BlockSpec((_M_TILE, E_DIM), lambda i: (i, 0)),
            pl.BlockSpec((N_E, E_DIM), lambda i: (0, 0)),
            pl.BlockSpec((1, N_E), lambda i: (0, 0)),
        ],
        out_specs=[
            pl.BlockSpec((_M_TILE, 1), lambda i: (i, 0)),
            pl.BlockSpec((_M_TILE, 1), lambda i: (i, 0)),
        ],
        out_shape=[
            jax.ShapeDtypeStruct((m, 1), jnp.int32),
            jax.ShapeDtypeStruct((m, 1), jnp.float32),
        ],
        scratch_shapes=[pltpu.VMEM((N_E, E_DIM), jnp.bfloat16)],
    )(z_flat, W, wn)


def _make_sc_gather(n_rows):
    info = plsc.get_sparse_core_info()
    nw = info.num_cores * info.num_subcores
    rows_per_w = n_rows // nw
    n_chunks = max(1, rows_per_w // 128)
    chunk = rows_per_w // n_chunks
    mesh = plsc.VectorSubcoreMesh(core_axis_name="c", subcore_axis_name="s")

    @functools.partial(
        pl.kernel,
        mesh=mesh,
        out_type=jax.ShapeDtypeStruct((n_rows, E_DIM), jnp.float32),
        scratch_types=[
            pltpu.VMEM((n_chunks, chunk), jnp.int32),
            pltpu.VMEM((rows_per_w, E_DIM), jnp.float32),
            pltpu.SemaphoreType.DMA,
            pltpu.SemaphoreType.DMA,
        ],
    )
    def gather_k(w_hbm, idx_hbm, out_hbm, idx_v, rows_v, sem, sem_out):
        wid = lax.axis_index("s") * info.num_cores + lax.axis_index("c")
        base = wid * rows_per_w
        pltpu.sync_copy(idx_hbm.at[wid], idx_v)
        copies = [
            pltpu.async_copy(w_hbm.at[idx_v.at[j]],
                             rows_v.at[pl.ds(j * chunk, chunk)], sem)
            for j in range(n_chunks)
        ]
        out_copies = []
        for j, c in enumerate(copies):
            c.wait()
            out_copies.append(pltpu.async_copy(
                rows_v.at[pl.ds(j * chunk, chunk)],
                out_hbm.at[pl.ds(base + j * chunk, chunk)], sem_out))
        for c in out_copies:
            c.wait()

    def run(w, idx):
        return gather_k(w, idx.reshape(nw, n_chunks, chunk))

    return run


def kernel(z, W):
    zp = jnp.transpose(z, (0, 2, 3, 1))
    z_flat = zp.reshape(-1, E_DIM)
    wn = jnp.sum(W ** 2, axis=1)

    idx2d, minv = _dist_argmin(z_flat, W, wn.reshape(1, N_E))
    idx = idx2d.reshape(-1)

    z_q = _make_sc_gather(z_flat.shape[0])(W, idx).reshape(zp.shape)

    n_elems = z_flat.shape[0] * E_DIM
    mean_sq = jnp.sum(minv) / n_elems
    loss = mean_sq + BETA * mean_sq

    z_q = jnp.transpose(z_q, (0, 3, 1, 2))
    return (z_q, loss, (None, None, idx))

# --- scband reference (transcript-rebuilt; emitter-appended) ---
"""Pipeline reference for scband-vector-quantizer-54030688583900 (READ-ONLY COPY).

The authoritative reference and input builder live on the scoring server;
editing this copy changes nothing except your own understanding.
"""

import jax, jax.numpy as jnp
import numpy as np

N_E = 8192
E_DIM = 256
BETA = 0.25


def setup_inputs(seed: int = 0) -> dict:
    key = jax.random.key(seed)
    k1, k2 = jax.random.split(key)
    z = jax.random.normal(k1, (8, 256, 32, 32), dtype=jnp.float32)
    # embedding table initialized uniform(-1/n_e, 1/n_e) like the torch module
    W = jax.random.uniform(k2, (N_E, E_DIM), minval=-1.0 / N_E, maxval=1.0 / N_E, dtype=jnp.float32)
    return {"z": z, "W": W}


def reference(z, W):
    # b c h w -> b h w c
    zp = jnp.transpose(z, (0, 2, 3, 1))
    z_flat = zp.reshape(-1, E_DIM)
    # squared L2 distances to all codebook entries
    d = (jnp.sum(z_flat ** 2, axis=1, keepdims=True)
         + jnp.sum(W ** 2, axis=1)
         - 2.0 * jnp.einsum('bd,dn->bn', z_flat, W.T))
    min_encoding_indices = jnp.argmin(d, axis=1)
    z_q = jnp.take(W, min_encoding_indices, axis=0).reshape(zp.shape)
    # legacy loss: commitment + codebook terms
    loss = (jnp.mean((jax.lax.stop_gradient(z_q) - zp) ** 2)
            + BETA * jnp.mean((z_q - jax.lax.stop_gradient(zp)) ** 2))
    # straight-through estimator
    z_q = zp + jax.lax.stop_gradient(z_q - zp)
    # b h w c -> b c h w
    z_q = jnp.transpose(z_q, (0, 3, 1, 2))
    return (z_q, loss, (None, None, min_encoding_indices))

if __name__ == "__main__":
    import jax
    _d = setup_inputs()
    print(jax.jit(kernel)(*tuple(_d.values())))

</pallas_src>

<mosaic_0001>
#map = affine_map<(d0, d1) -> (0, 0)>
#map1 = affine_map<(d0, d1) -> (0, 0, 0)>
module attributes {stable_mosaic.version = 14 : i64} {
  func.func @gather_k(%arg0: i32, %arg1: i32, %arg2: memref<8192x256xf32, #tpu.memory_space<hbm>>, %arg3: memref<32x2x128xi32, #tpu.memory_space<hbm>>, %arg4: memref<8192x256xf32, #tpu.memory_space<hbm>>, %arg5: memref<2x128xi32, #tpu.memory_space<vmem>>, %arg6: memref<256x256xf32, #tpu.memory_space<vmem>>, %arg7: memref<!tpu.dma_semaphore, #tpu.memory_space<semaphore_mem>>, %arg8: memref<!tpu.dma_semaphore, #tpu.memory_space<semaphore_mem>>) attributes {dimension_semantics = [#tpu.dimension_semantics<core_parallel>, #tpu.dimension_semantics<subcore_parallel>], iteration_bounds = array<i64: 2, 16>, scalar_prefetch = 0 : i64, scratch_operands = 4 : i64, tpu.core_type = #tpu.core_type<sc_vector_subcore>, window_params = [{transform_indices = #map}, {transform_indices = #map1}, {transform_indices = #map}]} {
    %mul3A = arith.constant 2 : i32
    %mul3A_0 = arith.muli %arg1, %mul3A : i32
    %add3A = arith.addi %mul3A_0, %arg0 : i32
    %mul3A_1 = arith.constant 256 : i32
    %mul3A_2 = arith.muli %add3A, %mul3A_1 : i32
    "tpu.region"() ({
      %run_scoped3A = tpu.sem_alloc : memref<!tpu.dma_semaphore, #tpu.memory_space<semaphore_mem>>
      %dma_start3A_85 = arith.constant 0 : i32
      %dma_start3A_86 = arith.constant 0 : i32
      %dma_start3A_87 = tpu.memref_slice %arg3[%add3A, %dma_start3A_85, %dma_start3A_86] : memref<32x2x128xi32, #tpu.memory_space<hbm>> -> memref<1x2x128xi32, #tpu.memory_space<hbm>>
      %dma_start3A_88 = tpu.memref_squeeze %dma_start3A_87 : memref<1x2x128xi32, #tpu.memory_space<hbm>> -> memref<2x128xi32, #tpu.memory_space<hbm>>
      %dma_start3A_89 = arith.constant 0 : i32
      %dma_start3A_90 = arith.constant 0 : i32
      %dma_start3A_91 = tpu.memref_slice %arg3[%add3A, %dma_start3A_89, %dma_start3A_90] : memref<32x2x128xi32, #tpu.memory_space<hbm>> -> memref<1x2x128xi32, #tpu.memory_space<hbm>>
      %dma_start3A_92 = tpu.memref_squeeze %dma_start3A_91 : memref<1x2x128xi32, #tpu.memory_space<hbm>> -> memref<2x128xi32, #tpu.memory_space<hbm>>
      tpu.enqueue_dma source(%dma_start3A_92 : memref<2x128xi32, #tpu.memory_space<hbm>>) target(%arg5 : memref<2x128xi32, #tpu.memory_space<vmem>>) target_semaphore(%run_scoped3A : memref<!tpu.dma_semaphore, #tpu.memory_space<semaphore_mem>>)
      %dma_wait3A_93 = arith.constant 0 : i32
      %dma_wait3A_94 = arith.constant 0 : i32
      %dma_wait3A_95 = tpu.memref_slice %arg3[%add3A, %dma_wait3A_93, %dma_wait3A_94] : memref<32x2x128xi32, #tpu.memory_space<hbm>> -> memref<1x2x128xi32, #tpu.memory_space<hbm>>
      %dma_wait3A_96 = tpu.memref_squeeze %dma_wait3A_95 : memref<1x2x128xi32, #tpu.memory_space<hbm>> -> memref<2x128xi32, #tpu.memory_space<hbm>>
      %dma_wait3A_97 = arith.constant 0 : i32
      %dma_wait3A_98 = arith.constant 0 : i32
      %dma_wait3A_99 = tpu.memref_slice %arg3[%add3A, %dma_wait3A_97, %dma_wait3A_98] : memref<32x2x128xi32, #tpu.memory_space<hbm>> -> memref<1x2x128xi32, #tpu.memory_space<hbm>>
      %dma_wait3A_100 = tpu.memref_squeeze %dma_wait3A_99 : memref<1x2x128xi32, #tpu.memory_space<hbm>> -> memref<2x128xi32, #tpu.memory_space<hbm>>
      tpu.wait_dma2 semaphore(%run_scoped3A : memref<!tpu.dma_semaphore, #tpu.memory_space<semaphore_mem>>) src(%dma_wait3A_100 : memref<2x128xi32, #tpu.memory_space<hbm>>) dst(%arg5 : memref<2x128xi32, #tpu.memory_space<vmem>>)
      tpu.yield
    }) : () -> ()
    %dma_start3A = arith.constant 0 : i32
    %dma_start3A_3 = arith.constant 0 : i32
    %dma_start3A_4 = arith.constant 0 : i32
    %dma_start3A_5 = tpu.memref_slice %arg6[%dma_start3A_3, %dma_start3A_4] : memref<256x256xf32, #tpu.memory_space<vmem>> -> memref<128x256xf32, #tpu.memory_space<vmem>>
    %dma_start3A_6 = arith.constant 0 : i32
    %dma_start3A_7 = tpu.memref_slice %arg5[%dma_start3A, %dma_start3A_6] : memref<2x128xi32, #tpu.memory_space<vmem>> -> memref<1x128xi32, #tpu.memory_space<vmem>>
    %dma_start3A_8 = tpu.memref_squeeze %dma_start3A_7 : memref<1x128xi32, #tpu.memory_space<vmem>> -> memref<128xi32, #tpu.memory_space<vmem>>
    %dma_start3A_9 = arith.constant 0 : i32
    %dma_start3A_10 = arith.constant 0 : i32
    %dma_start3A_11 = tpu.memref_slice %arg2[%dma_start3A_9, %dma_start3A_10] : memref<8192x256xf32, #tpu.memory_space<hbm>> -> memref<8192x256xf32, #tpu.memory_space<hbm>>
    tpu.enqueue_indirect_dma source(%dma_start3A_11 : memref<8192x256xf32, #tpu.memory_space<hbm>>) target(%dma_start3A_5 : memref<128x256xf32, #tpu.memory_space<vmem>>) offsets(%dma_start3A_8 : memref<128xi32, #tpu.memory_space<vmem>>) semaphore(%arg7 : memref<!tpu.dma_semaphore, #tpu.memory_space<semaphore_mem>>)
    %dma_start3A_12 = arith.constant 1 : i32
    %dma_start3A_13 = arith.constant 128 : i32
    %dma_start3A_14 = arith.constant 0 : i32
    %dma_start3A_15 = tpu.memref_slice %arg6[%dma_start3A_13, %dma_start3A_14] : memref<256x256xf32, #tpu.memory_space<vmem>> -> memref<128x256xf32, #tpu.memory_space<vmem>>
    %dma_start3A_16 = arith.constant 0 : i32
    %dma_start3A_17 = tpu.memref_slice %arg5[%dma_start3A_12, %dma_start3A_16] : memref<2x128xi32, #tpu.memory_space<vmem>> -> memref<1x128xi32, #tpu.memory_space<vmem>>
    %dma_start3A_18 = tpu.memref_squeeze %dma_start3A_17 : memref<1x128xi32, #tpu.memory_space<vmem>> -> memref<128xi32, #tpu.memory_space<vmem>>
    %dma_start3A_19 = arith.constant 0 : i32
    %dma_start3A_20 = arith.constant 0 : i32
    %dma_start3A_21 = tpu.memref_slice %arg2[%dma_start3A_19, %dma_start3A_20] : memref<8192x256xf32, #tpu.memory_space<hbm>> -> memref<8192x256xf32, #tpu.memory_space<hbm>>
    tpu.enqueue_indirect_dma source(%dma_start3A_21 : memref<8192x256xf32, #tpu.memory_space<hbm>>) target(%dma_start3A_15 : memref<128x256xf32, #tpu.memory_space<vmem>>) offsets(%dma_start3A_18 : memref<128xi32, #tpu.memory_space<vmem>>) semaphore(%arg7 : memref<!tpu.dma_semaphore, #tpu.memory_space<semaphore_mem>>)
    %dma_wait3A = arith.constant 0 : i32
    %dma_wait3A_22 = arith.constant 0 : i32
    %dma_wait3A_23 = arith.constant 0 : i32
    %dma_wait3A_24 = tpu.memref_slice %arg6[%dma_wait3A_22, %dma_wait3A_23] : memref<256x256xf32, #tpu.memory_space<vmem>> -> memref<128x256xf32, #tpu.memory_space<vmem>>
    %dma_wait3A_25 = arith.constant 0 : i32
    %dma_wait3A_26 = tpu.memref_slice %arg5[%dma_wait3A, %dma_wait3A_25] : memref<2x128xi32, #tpu.memory_space<vmem>> -> memref<1x128xi32, #tpu.memory_space<vmem>>
    %dma_wait3A_27 = tpu.memref_squeeze %dma_wait3A_26 : memref<1x128xi32, #tpu.memory_space<vmem>> -> memref<128xi32, #tpu.memory_space<vmem>>
    %dma_wait3A_28 = arith.constant 0 : i32
    %dma_wait3A_29 = arith.constant 0 : i32
    %dma_wait3A_30 = tpu.memref_slice %arg2[%dma_wait3A_28, %dma_wait3A_29] : memref<8192x256xf32, #tpu.memory_space<hbm>> -> memref<8192x256xf32, #tpu.memory_space<hbm>>
    tpu.wait_indirect_dma semaphore(%arg7 : memref<!tpu.dma_semaphore, #tpu.memory_space<semaphore_mem>>) src(%dma_wait3A_30 : memref<8192x256xf32, #tpu.memory_space<hbm>>) dst(%dma_wait3A_24 : memref<128x256xf32, #tpu.memory_space<vmem>>)
    %add3A_31 = arith.constant 0 : i32
    %add3A_32 = arith.addi %mul3A_2, %add3A_31 : i32
    %dma_start3A_33 = arith.constant 0 : i32
    %dma_start3A_34 = arith.constant 0 : i32
    %dma_start3A_35 = tpu.memref_slice %arg6[%dma_start3A_33, %dma_start3A_34] : memref<256x256xf32, #tpu.memory_space<vmem>> -> memref<128x256xf32, #tpu.memory_space<vmem>>
    %dma_start3A_36 = arith.constant 0 : i32
    %dma_start3A_37 = tpu.memref_slice %arg4[%add3A_32, %dma_start3A_36] : memref<8192x256xf32, #tpu.memory_space<hbm>> -> memref<128x256xf32, #tpu.memory_space<hbm>>
    %dma_start3A_38 = arith.constant 0 : i32
    %dma_start3A_39 = tpu.memref_slice %arg4[%add3A_32, %dma_start3A_38] : memref<8192x256xf32, #tpu.memory_space<hbm>> -> memref<128x256xf32, #tpu.memory_space<hbm>>
    %dma_start3A_40 = arith.constant 0 : i32
    %dma_start3A_41 = arith.constant 0 : i32
    %dma_start3A_42 = tpu.memref_slice %arg6[%dma_start3A_40, %dma_start3A_41] : memref<256x256xf32, #tpu.memory_space<vmem>> -> memref<128x256xf32, #tpu.memory_space<vmem>>
    tpu.enqueue_dma source(%dma_start3A_42 : memref<128x256xf32, #tpu.memory_space<vmem>>) target(%dma_start3A_39 : memref<128x256xf32, #tpu.memory_space<hbm>>) target_semaphore(%arg8 : memref<!tpu.dma_semaphore, #tpu.memory_space<semaphore_mem>>)
    %dma_wait3A_43 = arith.constant 1 : i32
    %dma_wait3A_44 = arith.constant 128 : i32
    %dma_wait3A_45 = arith.constant 0 : i32
    %dma_wait3A_46 = tpu.memref_slice %arg6[%dma_wait3A_44, %dma_wait3A_45] : memref<256x256xf32, #tpu.memory_space<vmem>> -> memref<128x256xf32, #tpu.memory_space<vmem>>
    %dma_wait3A_47 = arith.constant 0 : i32
    %dma_wait3A_48 = tpu.memref_slice %arg5[%dma_wait3A_43, %dma_wait3A_47] : memref<2x128xi32, #tpu.memory_space<vmem>> -> memref<1x128xi32, #tpu.memory_space<vmem>>
    %dma_wait3A_49 = tpu.memref_squeeze %dma_wait3A_48 : memref<1x128xi32, #tpu.memory_space<vmem>> -> memref<128xi32, #tpu.memory_space<vmem>>
    %dma_wait3A_50 = arith.constant 0 : i32
    %dma_wait3A_51 = arith.constant 0 : i32
    %dma_wait3A_52 = tpu.memref_slice %arg2[%dma_wait3A_50, %dma_wait3A_51] : memref<8192x256xf32, #tpu.memory_space<hbm>> -> memref<8192x256xf32, #tpu.memory_space<hbm>>
    tpu.wait_indirect_dma semaphore(%arg7 : memref<!tpu.dma_semaphore, #tpu.memory_space<semaphore_mem>>) src(%dma_wait3A_52 : memref<8192x256xf32, #tpu.memory_space<hbm>>) dst(%dma_wait3A_46 : memref<128x256xf32, #tpu.memory_space<vmem>>)
    %add3A_53 = arith.constant 128 : i32
    %add3A_54 = arith.addi %mul3A_2, %add3A_53 : i32
    %dma_start3A_55 = arith.constant 128 : i32
    %dma_start3A_56 = arith.constant 0 : i32
    %dma_start3A_57 = tpu.memref_slice %arg6[%dma_start3A_55, %dma_start3A_56] : memref<256x256xf32, #tpu.memory_space<vmem>> -> memref<128x256xf32, #tpu.memory_space<vmem>>
    %dma_start3A_58 = arith.constant 0 : i32
    %dma_start3A_59 = tpu.memref_slice %arg4[%add3A_54, %dma_start3A_58] : memref<8192x256xf32, #tpu.memory_space<hbm>> -> memref<128x256xf32, #tpu.memory_space<hbm>>
    %dma_start3A_60 = arith.constant 0 : i32
    %dma_start3A_61 = tpu.memref_slice %arg4[%add3A_54, %dma_start3A_60] : memref<8192x256xf32, #tpu.memory_space<hbm>> -> memref<128x256xf32, #tpu.memory_space<hbm>>
    %dma_start3A_62 = arith.constant 128 : i32
    %dma_start3A_63 = arith.constant 0 : i32
    %dma_start3A_64 = tpu.memref_slice %arg6[%dma_start3A_62, %dma_start3A_63] : memref<256x256xf32, #tpu.memory_space<vmem>> -> memref<128x256xf32, #tpu.memory_space<vmem>>
    tpu.enqueue_dma source(%dma_start3A_64 : memref<128x256xf32, #tpu.memory_space<vmem>>) target(%dma_start3A_61 : memref<128x256xf32, #tpu.memory_space<hbm>>) target_semaphore(%arg8 : memref<!tpu.dma_semaphore, #tpu.memory_space<semaphore_mem>>)
    %dma_wait3A_65 = arith.constant 0 : i32
    %dma_wait3A_66 = arith.constant 0 : i32
    %dma_wait3A_67 = tpu.memref_slice %arg6[%dma_wait3A_65, %dma_wait3A_66] : memref<256x256xf32, #tpu.memory_space<vmem>> -> memref<128x256xf32, #tpu.memory_space<vmem>>
    %dma_wait3A_68 = arith.constant 0 : i32
    %dma_wait3A_69 = tpu.memref_slice %arg4[%add3A_32, %dma_wait3A_68] : memref<8192x256xf32, #tpu.memory_space<hbm>> -> memref<128x256xf32, #tpu.memory_space<hbm>>
    %dma_wait3A_70 = arith.constant 0 : i32
    %dma_wait3A_71 = tpu.memref_slice %arg4[%add3A_32, %dma_wait3A_70] : memref<8192x256xf32, #tpu.memory_space<hbm>> -> memref<128x256xf32, #tpu.memory_space<hbm>>
    %dma_wait3A_72 = arith.constant 0 : i32
    %dma_wait3A_73 = arith.constant 0 : i32
    %dma_wait3A_74 = tpu.memref_slice %arg6[%dma_wait3A_72, %dma_wait3A_73] : memref<256x256xf32, #tpu.memory_space<vmem>> -> memref<128x256xf32, #tpu.memory_space<vmem>>
    tpu.wait_dma2 semaphore(%arg8 : memref<!tpu.dma_semaphore, #tpu.memory_space<semaphore_mem>>) src(%dma_wait3A_74 : memref<128x256xf32, #tpu.memory_space<vmem>>) dst(%dma_wait3A_71 : memref<128x256xf32, #tpu.memory_space<hbm>>)
    %dma_wait3A_75 = arith.constant 128 : i32
    %dma_wait3A_76 = arith.constant 0 : i32
    %dma_wait3A_77 = tpu.memref_slice %arg6[%dma_wait3A_75, %dma_wait3A_76] : memref<256x256xf32, #tpu.memory_space<vmem>> -> memref<128x256xf32, #tpu.memory_space<vmem>>
    %dma_wait3A_78 = arith.constant 0 : i32
    %dma_wait3A_79 = tpu.memref_slice %arg4[%add3A_54, %dma_wait3A_78] : memref<8192x256xf32, #tpu.memory_space<hbm>> -> memref<128x256xf32, #tpu.memory_space<hbm>>
    %dma_wait3A_80 = arith.constant 0 : i32
    %dma_wait3A_81 = tpu.memref_slice %arg4[%add3A_54, %dma_wait3A_80] : memref<8192x256xf32, #tpu.memory_space<hbm>> -> memref<128x256xf32, #tpu.memory_space<hbm>>
    %dma_wait3A_82 = arith.constant 128 : i32
    %dma_wait3A_83 = arith.constant 0 : i32
    %dma_wait3A_84 = tpu.memref_slice %arg6[%dma_wait3A_82, %dma_wait3A_83] : memref<256x256xf32, #tpu.memory_space<vmem>> -> memref<128x256xf32, #tpu.memory_space<vmem>>
    tpu.wait_dma2 semaphore(%arg8 : memref<!tpu.dma_semaphore, #tpu.memory_space<semaphore_mem>>) src(%dma_wait3A_84 : memref<128x256xf32, #tpu.memory_space<vmem>>) dst(%dma_wait3A_81 : memref<128x256xf32, #tpu.memory_space<hbm>>)
    return
  }
}

module attributes {stable_mosaic.version = 14 : i64} {
  func.func @_dist_argmin_body(%arg0: i32, %arg1: memref<2048x256xf32, #tpu.memory_space<vmem>>, %arg2: memref<8192x256xf32, #tpu.memory_space<vmem>>, %arg3: memref<1x8192xf32, #tpu.memory_space<vmem>>, %arg4: memref<2048x1xi32, #tpu.memory_space<vmem>>, %arg5: memref<2048x1xf32, #tpu.memory_space<vmem>>, %arg6: memref<8192x256xbf16, #tpu.memory_space<vmem>>) attributes {dimension_semantics = [#tpu.dimension_semantics<arbitrary>], iteration_bounds = array<i64: 4>, scalar_prefetch = 0 : i64, scratch_operands = 1 : i64, tpu.core_type = #tpu.core_type<tc>, window_params = [{transform_indices = @transform_0, window_bounds = array<i64: 2048, 256>}, {pipeline_mode = #tpu.pipeline_mode<synchronous>, transform_indices = @transform_1, window_bounds = array<i64: 8192, 256>}, {pipeline_mode = #tpu.pipeline_mode<synchronous>, transform_indices = @transform_2, window_bounds = array<i64: 1, 8192>}, {transform_indices = @transform_3, window_bounds = array<i64: 2048, 1>}, {transform_indices = @transform_4, window_bounds = array<i64: 2048, 1>}]} {
    %eq3A = arith.constant 0 : i32
    %eq3A_0 = arith.cmpi eq, %arg0, %eq3A : i32
    %convert_element_type3A = arith.extui %eq3A_0 : i1 to i32
    %cond3A = arith.constant 0 : i32
    %cond3A_1 = arith.cmpi ne, %convert_element_type3A, %cond3A : i32
    scf.if %cond3A_1 {
      %get3A_933 = arith.constant 0 : index
      %get3A_934 = arith.constant 0 : index
      %get3A_935 = vector.load %arg2[%get3A_933, %get3A_934] : memref<8192x256xf32, #tpu.memory_space<vmem>>, vector<8192x256xf32>
      %mul3A_936 = arith.constant -2.000000e+00 : f32
      %mul3A_937 = vector.broadcast %mul3A_936 : f32 to vector<8192x256xf32>
      %mul3A_938 = arith.mulf %get3A_935, %mul3A_937 : vector<8192x256xf32>
      %convert_element_type3A_939 = arith.truncf %mul3A_938 : vector<8192x256xf32> to vector<8192x256xbf16>
      %swap3A_940 = arith.constant 0 : index
      %swap3A_941 = arith.constant 0 : index
      %swap3A_942 = vector.load %arg6[%swap3A_940, %swap3A_941] : memref<8192x256xbf16, #tpu.memory_space<vmem>>, vector<8192x256xbf16>
      tpu.vector_store %arg6[%swap3A_940, %swap3A_941], %convert_element_type3A_939 {strides = array<i32>} : memref<8192x256xbf16, #tpu.memory_space<vmem>>, vector<8192x256xbf16>,
    } else {
    }
    %get3A = arith.constant 0 : index
    %get3A_2 = arith.constant 0 : index
    %get3A_3 = vector.load %arg1[%get3A, %get3A_2] : memref<2048x256xf32, #tpu.memory_space<vmem>>, vector<2048x256xf32>
    %mul3A = arith.mulf %get3A_3, %get3A_3 : vector<2048x256xf32>
    %reduce_sum3A = arith.constant dense<0.000000e+00> : vector<2048xf32>
    %reduce_sum3A_4 = vector.multi_reduction <add>, %mul3A, %reduce_sum3A [1] : vector<2048x256xf32> to vector<2048xf32>
    %broadcast_in_dim3A = vector.shape_cast %reduce_sum3A_4 : vector<2048xf32> to vector<2048x1xf32>
    %broadcast_in_dim3A_5 = arith.constant 0x7F800000 : f32
    %broadcast_in_dim3A_6 = vector.broadcast %broadcast_in_dim3A_5 : f32 to vector<2048x128xf32>
    %broadcast_in_dim3A_7 = arith.constant 0.000000e+00 : f32
    %broadcast_in_dim3A_8 = vector.broadcast %broadcast_in_dim3A_7 : f32 to vector<2048x128xf32>
    %get3A_9 = arith.constant 0 : index
    %get3A_10 = arith.constant 0 : index
    %get3A_11 = vector.load %arg6[%get3A_9, %get3A_10] : memref<8192x256xbf16, #tpu.memory_space<vmem>>, vector<512x256xbf16>
    %dot_general3A = arith.constant dense<0.000000e+00> : vector<2048x512xf32>
    %dot_general3A_12 = tpu.matmul %get3A_3, %get3A_11, %dot_general3A {dimension_numbers = #tpu.dot_dimension_numbers<[1], [1], [0], [0], [0, 0, 1, 0], [], []>, transpose_lhs_hint = false} : vector<2048x256xf32>, vector<512x256xbf16>, vector<2048x512xf32> -> vector<2048x512xf32>
    %get3A_13 = arith.constant 0 : index
    %get3A_14 = arith.constant 0 : index
    %get3A_15 = vector.load %arg3[%get3A_13, %get3A_14] : memref<1x8192xf32, #tpu.memory_space<vmem>>, vector<1x128xf32>
    %add3A = vector.broadcast %broadcast_in_dim3A : vector<2048x1xf32> to vector<2048x128xf32>
    %add3A_16 = vector.broadcast %get3A_15 : vector<1x128xf32> to vector<2048x128xf32>
    %add3A_17 = arith.addf %add3A, %add3A_16 : vector<2048x128xf32>
    %slice3A = vector.extract_strided_slice %dot_general3A_12 {offsets = [0, 0], sizes = [2048, 128], strides = [1, 1]} : vector<2048x512xf32> to vector<2048x128xf32>
    %add3A_18 = arith.addf %add3A_17, %slice3A : vector<2048x128xf32>
    %lt3A = arith.cmpf olt, %add3A_18, %broadcast_in_dim3A_6 : vector<2048x128xf32>
    %select_n3A = arith.select %lt3A, %add3A_18, %broadcast_in_dim3A_6 : vector<2048x128xi1>, vector<2048x128xf32>
    %jit3A = arith.constant 0.000000e+00 : f32
    %broadcast_in_dim3A_19 = vector.broadcast %jit3A : f32 to vector<2048x128xf32>
    %select_n3A_20 = arith.select %lt3A, %broadcast_in_dim3A_19, %broadcast_in_dim3A_8 : vector<2048x128xi1>, vector<2048x128xf32>
    %get3A_21 = arith.constant 0 : index
    %get3A_22 = arith.constant 128 : index
    %get3A_23 = vector.load %arg3[%get3A_21, %get3A_22] : memref<1x8192xf32, #tpu.memory_space<vmem>>, vector<1x128xf32>
    %add3A_24 = vector.broadcast %broadcast_in_dim3A : vector<2048x1xf32> to vector<2048x128xf32>
    %add3A_25 = vector.broadcast %get3A_23 : vector<1x128xf32> to vector<2048x128xf32>
    %add3A_26 = arith.addf %add3A_24, %add3A_25 : vector<2048x128xf32>
    %slice3A_27 = vector.extract_strided_slice %dot_general3A_12 {offsets = [0, 128], sizes = [2048, 128], strides = [1, 1]} : vector<2048x512xf32> to vector<2048x128xf32>
    %add3A_28 = arith.addf %add3A_26, %slice3A_27 : vector<2048x128xf32>
    %lt3A_29 = arith.cmpf olt, %add3A_28, %select_n3A : vector<2048x128xf32>
    %select_n3A_30 = arith.select %lt3A_29, %add3A_28, %select_n3A : vector<2048x128xi1>, vector<2048x128xf32>
    %jit3A_31 = arith.constant 1.280000e+02 : f32
    %broadcast_in_dim3A_32 = vector.broadcast %jit3A_31 : f32 to vector<2048x128xf32>
    %select_n3A_33 = arith.select %lt3A_29, %broadcast_in_dim3A_32, %select_n3A_20 : vector<2048x128xi1>, vector<2048x128xf32>
    %get3A_34 = arith.constant 0 : index
    %get3A_35 = arith.constant 256 : index
    %get3A_36 = vector.load %arg3[%get3A_34, %get3A_35] : memref<1x8192xf32, #tpu.memory_space<vmem>>, vector<1x128xf32>
    %add3A_37 = vector.broadcast %broadcast_in_dim3A : vector<2048x1xf32> to vector<2048x128xf32>
    %add3A_38 = vector.broadcast %get3A_36 : vector<1x128xf32> to vector<2048x128xf32>
    %add3A_39 = arith.addf %add3A_37, %add3A_38 : vector<2048x128xf32>
    %slice3A_40 = vector.extract_strided_slice %dot_general3A_12 {offsets = [0, 256], sizes = [2048, 128], strides = [1, 1]} : vector<2048x512xf32> to vector<2048x128xf32>
    %add3A_41 = arith.addf %add3A_39, %slice3A_40 : vector<2048x128xf32>
    %lt3A_42 = arith.cmpf olt, %add3A_41, %select_n3A_30 : vector<2048x128xf32>
    %select_n3A_43 = arith.select %lt3A_42, %add3A_41, %select_n3A_30 : vector<2048x128xi1>, vector<2048x128xf32>
    %jit3A_44 = arith.constant 2.560000e+02 : f32
    %broadcast_in_dim3A_45 = vector.broadcast %jit3A_44 : f32 to vector<2048x128xf32>
    %select_n3A_46 = arith.select %lt3A_42, %broadcast_in_dim3A_45, %select_n3A_33 : vector<2048x128xi1>, vector<2048x128xf32>
    %get3A_47 = arith.constant 0 : index
    %get3A_48 = arith.constant 384 : index
    %get3A_49 = vector.load %arg3[%get3A_47, %get3A_48] : memref<1x8192xf32, #tpu.memory_space<vmem>>, vector<1x128xf32>
    %add3A_50 = vector.broadcast %broadcast_in_dim3A : vector<2048x1xf32> to vector<2048x128xf32>
    %add3A_51 = vector.broadcast %get3A_49 : vector<1x128xf32> to vector<2048x128xf32>
    %add3A_52 = arith.addf %add3A_50, %add3A_51 : vector<2048x128xf32>
    %slice3A_53 = vector.extract_strided_slice %dot_general3A_12 {offsets = [0, 384], sizes = [2048, 128], strides = [1, 1]} : vector<2048x512xf32> to vector<2048x128xf32>
    %add3A_54 = arith.addf %add3A_52, %slice3A_53 : vector<2048x128xf32>
    %lt3A_55 = arith.cmpf olt, %add3A_54, %select_n3A_43 : vector<2048x128xf32>
    %select_n3A_56 = arith.select %lt3A_55, %add3A_54, %select_n3A_43 : vector<2048x128xi1>, vector<2048x128xf32>
    %jit3A_57 = arith.constant 3.840000e+02 : f32
    %broadcast_in_dim3A_58 = vector.broadcast %jit3A_57 : f32 to vector<2048x128xf32>
    %select_n3A_59 = arith.select %lt3A_55, %broadcast_in_dim3A_58, %select_n3A_46 : vector<2048x128xi1>, vector<2048x128xf32>
    %get3A_60 = arith.constant 512 : index
    %get3A_61 = arith.constant 0 : index
    %get3A_62 = vector.load %arg6[%get3A_60, %get3A_61] : memref<8192x256xbf16, #tpu.memory_space<vmem>>, vector<512x256xbf16>
    %dot_general3A_63 = arith.constant dense<0.000000e+00> : vector<2048x512xf32>
    %dot_general3A_64 = tpu.matmul %get3A_3, %get3A_62, %dot_general3A_63 {dimension_numbers = #tpu.dot_dimension_numbers<[1], [1], [0], [0], [0, 0, 1, 0], [], []>, transpose_lhs_hint = false} : vector<2048x256xf32>, vector<512x256xbf16>, vector<2048x512xf32> -> vector<2048x512xf32>
    %get3A_65 = arith.constant 0 : index
    %get3A_66 = arith.constant 512 : index
    %get3A_67 = vector.load %arg3[%get3A_65, %get3A_66] : memref<1x8192xf32, #tpu.memory_space<vmem>>, vector<1x128xf32>
    %add3A_68 = vector.broadcast %broadcast_in_dim3A : vector<2048x1xf32> to vector<2048x128xf32>
    %add3A_69 = vector.broadcast %get3A_67 : vector<1x128xf32> to vector<2048x128xf32>
    %add3A_70 = arith.addf %add3A_68, %add3A_69 : vector<2048x128xf32>
    %slice3A_71 = vector.extract_strided_slice %dot_general3A_64 {offsets = [0, 0], sizes = [2048, 128], strides = [1, 1]} : vector<2048x512xf32> to vector<2048x128xf32>
    %add3A_72 = arith.addf %add3A_70, %slice3A_71 : vector<2048x128xf32>
    %lt3A_73 = arith.cmpf olt, %add3A_72, %select_n3A_56 : vector<2048x128xf32>
    %select_n3A_74 = arith.select %lt3A_73, %add3A_72, %select_n3A_56 : vector<2048x128xi1>, vector<2048x128xf32>
    %jit3A_75 = arith.constant 5.120000e+02 : f32
    %broadcast_in_dim3A_76 = vector.broadcast %jit3A_75 : f32 to vector<2048x128xf32>
    %select_n3A_77 = arith.select %lt3A_73, %broadcast_in_dim3A_76, %select_n3A_59 : vector<2048x128xi1>, vector<2048x128xf32>
    %get3A_78 = arith.constant 0 : index
    %get3A_79 = arith.constant 640 : index
    %get3A_80 = vector.load %arg3[%get3A_78, %get3A_79] : memref<1x8192xf32, #tpu.memory_space<vmem>>, vector<1x128xf32>
    %add3A_81 = vector.broadcast %broadcast_in_dim3A : vector<2048x1xf32> to vector<2048x128xf32>
    %add3A_82 = vector.broadcast %get3A_80 : vector<1x128xf32> to vector<2048x128xf32>
    %add3A_83 = arith.addf %add3A_81, %add3A_82 : vector<2048x128xf32>
    %slice3A_84 = vector.extract_strided_slice %dot_general3A_64 {offsets = [0, 128], sizes = [2048, 128], strides = [1, 1]} : vector<2048x512xf32> to vector<2048x128xf32>
    %add3A_85 = arith.addf %add3A_83, %slice3A_84 : vector<2048x128xf32>
    %lt3A_86 = arith.cmpf olt, %add3A_85, %select_n3A_74 : vector<2048x128xf32>
    %select_n3A_87 = arith.select %lt3A_86, %add3A_85, %select_n3A_74 : vector<2048x128xi1>, vector<2048x128xf32>
    %jit3A_88 = arith.constant 6.400000e+02 : f32
    %broadcast_in_dim3A_89 = vector.broadcast %jit3A_88 : f32 to vector<2048x128xf32>
    %select_n3A_90 = arith.select %lt3A_86, %broadcast_in_dim3A_89, %select_n3A_77 : vector<2048x128xi1>, vector<2048x128xf32>
    %get3A_91 = arith.constant 0 : index
    %get3A_92 = arith.constant 768 : index
    %get3A_93 = vector.load %arg3[%get3A_91, %get3A_92] : memref<1x8192xf32, #tpu.memory_space<vmem>>, vector<1x128xf32>
    %add3A_94 = vector.broadcast %broadcast_in_dim3A : vector<2048x1xf32> to vector<2048x128xf32>
    %add3A_95 = vector.broadcast %get3A_93 : vector<1x128xf32> to vector<2048x128xf32>
    %add3A_96 = arith.addf %add3A_94, %add3A_95 : vector<2048x128xf32>
    %slice3A_97 = vector.extract_strided_slice %dot_general3A_64 {offsets = [0, 256], sizes = [2048, 128], strides = [1, 1]} : vector<2048x512xf32> to vector<2048x128xf32>
    %add3A_98 = arith.addf %add3A_96, %slice3A_97 : vector<2048x128xf32>
    %lt3A_99 = arith.cmpf olt, %add3A_98, %select_n3A_87 : vector<2048x128xf32>
    %select_n3A_100 = arith.select %lt3A_99, %add3A_98, %select_n3A_87 : vector<2048x128xi1>, vector<2048x128xf32>
    %jit3A_101 = arith.constant 7.680000e+02 : f32
    %broadcast_in_dim3A_102 = vector.broadcast %jit3A_101 : f32 to vector<2048x128xf32>
    %select_n3A_103 = arith.select %lt3A_99, %broadcast_in_dim3A_102, %select_n3A_90 : vector<2048x128xi1>, vector<2048x128xf32>
    %get3A_104 = arith.constant 0 : index
    %get3A_105 = arith.constant 896 : index
    %get3A_106 = vector.load %arg3[%get3A_104, %get3A_105] : memref<1x8192xf32, #tpu.memory_space<vmem>>, vector<1x128xf32>
    %add3A_107 = vector.broadcast %broadcast_in_dim3A : vector<2048x1xf32> to vector<2048x128xf32>
    %add3A_108 = vector.broadcast %get3A_106 : vector<1x128xf32> to vector<2048x128xf32>
    %add3A_109 = arith.addf %add3A_107, %add3A_108 : vector<2048x128xf32>
    %slice3A_110 = vector.extract_strided_slice %dot_general3A_64 {offsets = [0, 384], sizes = [2048, 128], strides = [1, 1]} : vector<2048x512xf32> to vector<2048x128xf32>
    %add3A_111 = arith.addf %add3A_109, %slice3A_110 : vector<2048x128xf32>
    %lt3A_112 = arith.cmpf olt, %add3A_111, %select_n3A_100 : vector<2048x128xf32>
    %select_n3A_113 = arith.select %lt3A_112, %add3A_111, %select_n3A_100 : vector<2048x128xi1>, vector<2048x128xf32>
    %jit3A_114 = arith.constant 8.960000e+02 : f32
    %broadcast_in_dim3A_115 = vector.broadcast %jit3A_114 : f32 to vector<2048x128xf32>
    %select_n3A_116 = arith.select %lt3A_112, %broadcast_in_dim3A_115, %select_n3A_103 : vector<2048x128xi1>, vector<2048x128xf32>
    %get3A_117 = arith.constant 1024 : index
    %get3A_118 = arith.constant 0 : index
    %get3A_119 = vector.load %arg6[%get3A_117, %get3A_118] : memref<8192x256xbf16, #tpu.memory_space<vmem>>, vector<512x256xbf16>
    %dot_general3A_120 = arith.constant dense<0.000000e+00> : vector<2048x512xf32>
    %dot_general3A_121 = tpu.matmul %get3A_3, %get3A_119, %dot_general3A_120 {dimension_numbers = #tpu.dot_dimension_numbers<[1], [1], [0], [0], [0, 0, 1, 0], [], []>, transpose_lhs_hint = false} : vector<2048x256xf32>, vector<512x256xbf16>, vector<2048x512xf32> -> vector<2048x512xf32>
    %get3A_122 = arith.constant 0 : index
    %get3A_123 = arith.constant 1024 : index
    %get3A_124 = vector.load %arg3[%get3A_122, %get3A_123] : memref<1x8192xf32, #tpu.memory_space<vmem>>, vector<1x128xf32>
    %add3A_125 = vector.broadcast %broadcast_in_dim3A : vector<2048x1xf32> to vector<2048x128xf32>
    %add3A_126 = vector.broadcast %get3A_124 : vector<1x128xf32> to vector<2048x128xf32>
    %add3A_127 = arith.addf %add3A_125, %add3A_126 : vector<2048x128xf32>
    %slice3A_128 = vector.extract_strided_slice %dot_general3A_121 {offsets = [0, 0], sizes = [2048, 128], strides = [1, 1]} : vector<2048x512xf32> to vector<2048x128xf32>
    %add3A_129 = arith.addf %add3A_127, %slice3A_128 : vector<2048x128xf32>
    %lt3A_130 = arith.cmpf olt, %add3A_129, %select_n3A_113 : vector<2048x128xf32>
    %select_n3A_131 = arith.select %lt3A_130, %add3A_129, %select_n3A_113 : vector<2048x128xi1>, vector<2048x128xf32>
    %jit3A_132 = arith.constant 1.024000e+03 : f32
    %broadcast_in_dim3A_133 = vector.broadcast %jit3A_132 : f32 to vector<2048x128xf32>
    %select_n3A_134 = arith.select %lt3A_130, %broadcast_in_dim3A_133, %select_n3A_116 : vector<2048x128xi1>, vector<2048x128xf32>
    %get3A_135 = arith.constant 0 : index
    %get3A_136 = arith.constant 1152 : index
    %get3A_137 = vector.load %arg3[%get3A_135, %get3A_136] : memref<1x8192xf32, #tpu.memory_space<vmem>>, vector<1x128xf32>
    %add3A_138 = vector.broadcast %broadcast_in_dim3A : vector<2048x1xf32> to vector<2048x128xf32>
    %add3A_139 = vector.broadcast %get3A_137 : vector<1x128xf32> to vector<2048x128xf32>
    %add3A_140 = arith.addf %add3A_138, %add3A_139 : vector<2048x128xf32>
    %slice3A_141 = vector.extract_strided_slice %dot_general3A_121 {offsets = [0, 128], sizes = [2048, 128], strides = [1, 1]} : vector<2048x512xf32> to vector<2048x128xf32>
    %add3A_142 = arith.addf %add3A_140, %slice3A_141 : vector<2048x128xf32>
    %lt3A_143 = arith.cmpf olt, %add3A_142, %select_n3A_131 : vector<2048x128xf32>
    %select_n3A_144 = arith.select %lt3A_143, %add3A_142, %select_n3A_131 : vector<2048x128xi1>, vector<2048x128xf32>
    %jit3A_145 = arith.constant 1.152000e+03 : f32
    %broadcast_in_dim3A_146 = vector.broadcast %jit3A_145 : f32 to vector<2048x128xf32>
    %select_n3A_147 = arith.select %lt3A_143, %broadcast_in_dim3A_146, %select_n3A_134 : vector<2048x128xi1>, vector<2048x128xf32>
    %get3A_148 = arith.constant 0 : index
    %get3A_149 = arith.constant 1280 : index
    %get3A_150 = vector.load %arg3[%get3A_148, %get3A_149] : memref<1x8192xf32, #tpu.memory_space<vmem>>, vector<1x128xf32>
    %add3A_151 = vector.broadcast %broadcast_in_dim3A : vector<2048x1xf32> to vector<2048x128xf32>
    %add3A_152 = vector.broadcast %get3A_150 : vector<1x128xf32> to vector<2048x128xf32>
    %add3A_153 = arith.addf %add3A_151, %add3A_152 : vector<2048x128xf32>
    %slice3A_154 = vector.extract_strided_slice %dot_general3A_121 {offsets = [0, 256], sizes = [2048, 128], strides = [1, 1]} : vector<2048x512xf32> to vector<2048x128xf32>
    %add3A_155 = arith.addf %add3A_153, %slice3A_154 : vector<2048x128xf32>
    %lt3A_156 = arith.cmpf olt, %add3A_155, %select_n3A_144 : vector<2048x128xf32>
    %select_n3A_157 = arith.select %lt3A_156, %add3A_155, %select_n3A_144 : vector<2048x128xi1>, vector<2048x128xf32>
    %jit3A_158 = arith.constant 1.280000e+03 : f32
    %broadcast_in_dim3A_159 = vector.broadcast %jit3A_158 : f32 to vector<2048x128xf32>
    %select_n3A_160 = arith.select %lt3A_156, %broadcast_in_dim3A_159, %select_n3A_147 : vector<2048x128xi1>, vector<2048x128xf32>
    %get3A_161 = arith.constant 0 : index
    %get3A_162 = arith.constant 1408 : index
    %get3A_163 = vector.load %arg3[%get3A_161, %get3A_162] : memref<1x8192xf32, #tpu.memory_space<vmem>>, vector<1x128xf32>
    %add3A_164 = vector.broadcast %broadcast_in_dim3A : vector<2048x1xf32> to vector<2048x128xf32>
    %add3A_165 = vector.broadcast %get3A_163 : vector<1x128xf32> to vector<2048x128xf32>
    %add3A_166 = arith.addf %add3A_164, %add3A_165 : vector<2048x128xf32>
    %slice3A_167 = vector.extract_strided_slice %dot_general3A_121 {offsets = [0, 384], sizes = [2048, 128], strides = [1, 1]} : vector<2048x512xf32> to vector<2048x128xf32>
    %add3A_168 = arith.addf %add3A_166, %slice3A_167 : vector<2048x128xf32>
    %lt3A_169 = arith.cmpf olt, %add3A_168, %select_n3A_157 : vector<2048x128xf32>
    %select_n3A_170 = arith.select %lt3A_169, %add3A_168, %select_n3A_157 : vector<2048x128xi1>, vector<2048x128xf32>
    %jit3A_171 = arith.constant 1.408000e+03 : f32
    %broadcast_in_dim3A_172 = vector.broadcast %jit3A_171 : f32 to vector<2048x128xf32>
    %select_n3A_173 = arith.select %lt3A_169, %broadcast_in_dim3A_172, %select_n3A_160 : vector<2048x128xi1>, vector<2048x128xf32>
    %get3A_174 = arith.constant 1536 : index
    %get3A_175 = arith.constant 0 : index
    %get3A_176 = vector.load %arg6[%get3A_174, %get3A_175] : memref<8192x256xbf16, #tpu.memory_space<vmem>>, vector<512x256xbf16>
    %dot_general3A_177 = arith.constant dense<0.000000e+00> : vector<2048x512xf32>
    %dot_general3A_178 = tpu.matmul %get3A_3, %get3A_176, %dot_general3A_177 {dimension_numbers = #tpu.dot_dimension_numbers<[1], [1], [0], [0], [0, 0, 1, 0], [], []>, transpose_lhs_hint = false} : vector<2048x256xf32>, vector<512x256xbf16>, vector<2048x512xf32> -> vector<2048x512xf32>
    %get3A_179 = arith.constant 0 : index
    %get3A_180 = arith.constant 1536 : index
    %get3A_181 = vector.load %arg3[%get3A_179, %get3A_180] : memref<1x8192xf32, #tpu.memory_space<vmem>>, vector<1x128xf32>
    %add3A_182 = vector.broadcast %broadcast_in_dim3A : vector<2048x1xf32> to vector<2048x128xf32>
    %add3A_183 = vector.broadcast %get3A_181 : vector<1x128xf32> to vector<2048x128xf32>
    %add3A_184 = arith.addf %add3A_182, %add3A_183 : vector<2048x128xf32>
    %slice3A_185 = vector.extract_strided_slice %dot_general3A_178 {offsets = [0, 0], sizes = [2048, 128], strides = [1, 1]} : vector<2048x512xf32> to vector<2048x128xf32>
    %add3A_186 = arith.addf %add3A_184, %slice3A_185 : vector<2048x128xf32>
    %lt3A_187 = arith.cmpf olt, %add3A_186, %select_n3A_170 : vector<2048x128xf32>
    %select_n3A_188 = arith.select %lt3A_187, %add3A_186, %select_n3A_170 : vector<2048x128xi1>, vector<2048x128xf32>
    %jit3A_189 = arith.constant 1.536000e+03 : f32
    %broadcast_in_dim3A_190 = vector.broadcast %jit3A_189 : f32 to vector<2048x128xf32>
    %select_n3A_191 = arith.select %lt3A_187, %broadcast_in_dim3A_190, %select_n3A_173 : vector<2048x128xi1>, vector<2048x128xf32>
    %get3A_192 = arith.constant 0 : index
    %get3A_193 = arith.constant 1664 : index
    %get3A_194 = vector.load %arg3[%get3A_192, %get3A_193] : memref<1x8192xf32, #tpu.memory_space<vmem>>, vector<1x128xf32>
    %add3A_195 = vector.broadcast %broadcast_in_dim3A : vector<2048x1xf32> to vector<2048x128xf32>
    %add3A_196 = vector.broadcast %get3A_194 : vector<1x128xf32> to vector<2048x128xf32>
    %add3A_197 = arith.addf %add3A_195, %add3A_196 : vector<2048x128xf32>
    %slice3A_198 = vector.extract_strided_slice %dot_general3A_178 {offsets = [0, 128], sizes = [2048, 128], strides = [1, 1]} : vector<2048x512xf32> to vector<2048x128xf32>
    %add3A_199 = arith.addf %add3A_197, %slice3A_198 : vector<2048x128xf32>
    %lt3A_200 = arith.cmpf olt, %add3A_199, %select_n3A_188 : vector<2048x128xf32>
    %select_n3A_201 = arith.select %lt3A_200, %add3A_199, %select_n3A_188 : vector<2048x128xi1>, vector<2048x128xf32>
    %jit3A_202 = arith.constant 1.664000e+03 : f32
    %broadcast_in_dim3A_203 = vector.broadcast %jit3A_202 : f32 to vector<2048x128xf32>
    %select_n3A_204 = arith.select %lt3A_200, %broadcast_in_dim3A_203, %select_n3A_191 : vector<2048x128xi1>, vector<2048x128xf32>
    %get3A_205 = arith.constant 0 : index
    %get3A_206 = arith.constant 1792 : index
    %get3A_207 = vector.load %arg3[%get3A_205, %get3A_206] : memref<1x8192xf32, #tpu.memory_space<vmem>>, vector<1x128xf32>
    %add3A_208 = vector.broadcast %broadcast_in_dim3A : vector<2048x1xf32> to vector<2048x128xf32>
    %add3A_209 = vector.broadcast %get3A_207 : vector<1x128xf32> to vector<2048x128xf32>
    %add3A_210 = arith.addf %add3A_208, %add3A_209 : vector<2048x128xf32>
    %slice3A_211 = vector.extract_strided_slice %dot_general3A_178 {offsets = [0, 256], sizes = [2048, 128], strides = [1, 1]} : vector<2048x512xf32> to vector<2048x128xf32>
    %add3A_212 = arith.addf %add3A_210, %slice3A_211 : vector<2048x128xf32>
    %lt3A_213 = arith.cmpf olt, %add3A_212, %select_n3A_201 : vector<2048x128xf32>
    %select_n3A_214 = arith.select %lt3A_213, %add3A_212, %select_n3A_201 : vector<2048x128xi1>, vector<2048x128xf32>
    %jit3A_215 = arith.constant 1.792000e+03 : f32
    %broadcast_in_dim3A_216 = vector.broadcast %jit3A_215 : f32 to vector<2048x128xf32>
    %select_n3A_217 = arith.select %lt3A_213, %broadcast_in_dim3A_216, %select_n3A_204 : vector<2048x128xi1>, vector<2048x128xf32>
    %get3A_218 = arith.constant 0 : index
    %get3A_219 = arith.constant 1920 : index
    %get3A_220 = vector.load %arg3[%get3A_218, %get3A_219] : memref<1x8192xf32, #tpu.memory_space<vmem>>, vector<1x128xf32>
    %add3A_221 = vector.broadcast %broadcast_in_dim3A : vector<2048x1xf32> to vector<2048x128xf32>
    %add3A_222 = vector.broadcast %get3A_220 : vector<1x128xf32> to vector<2048x128xf32>
    %add3A_223 = arith.addf %add3A_221, %add3A_222 : vector<2048x128xf32>
    %slice3A_224 = vector.extract_strided_slice %dot_general3A_178 {offsets = [0, 384], sizes = [2048, 128], strides = [1, 1]} : vector<2048x512xf32> to vector<2048x128xf32>
    %add3A_225 = arith.addf %add3A_223, %slice3A_224 : vector<2048x128xf32>
    %lt3A_226 = arith.cmpf olt, %add3A_225, %select_n3A_214 : vector<2048x128xf32>
    %select_n3A_227 = arith.select %lt3A_226, %add3A_225, %select_n3A_214 : vector<2048x128xi1>, vector<2048x128xf32>
    %jit3A_228 = arith.constant 1.920000e+03 : f32
    %broadcast_in_dim3A_229 = vector.broadcast %jit3A_228 : f32 to vector<2048x128xf32>
    %select_n3A_230 = arith.select %lt3A_226, %broadcast_in_dim3A_229, %select_n3A_217 : vector<2048x128xi1>, vector<2048x128xf32>
    %get3A_231 = arith.constant 2048 : index
    %get3A_232 = arith.constant 0 : index
    %get3A_233 = vector.load %arg6[%get3A_231, %get3A_232] : memref<8192x256xbf16, #tpu.memory_space<vmem>>, vector<512x256xbf16>
    %dot_general3A_234 = arith.constant dense<0.000000e+00> : vector<2048x512xf32>
    %dot_general3A_235 = tpu.matmul %get3A_3, %get3A_233, %dot_general3A_234 {dimension_numbers = #tpu.dot_dimension_numbers<[1], [1], [0], [0], [0, 0, 1, 0], [], []>, transpose_lhs_hint = false} : vector<2048x256xf32>, vector<512x256xbf16>, vector<2048x512xf32> -> vector<2048x512xf32>
    %get3A_236 = arith.constant 0 : index
    %get3A_237 = arith.constant 2048 : index
    %get3A_238 = vector.load %arg3[%get3A_236, %get3A_237] : memref<1x8192xf32, #tpu.memory_space<vmem>>, vector<1x128xf32>
    %add3A_239 = vector.broadcast %broadcast_in_dim3A : vector<2048x1xf32> to vector<2048x128xf32>
    %add3A_240 = vector.broadcast %get3A_238 : vector<1x128xf32> to vector<2048x128xf32>
    %add3A_241 = arith.addf %add3A_239, %add3A_240 : vector<2048x128xf32>
    %slice3A_242 = vector.extract_strided_slice %dot_general3A_235 {offsets = [0, 0], sizes = [2048, 128], strides = [1, 1]} : vector<2048x512xf32> to vector<2048x128xf32>
    %add3A_243 = arith.addf %add3A_241, %slice3A_242 : vector<2048x128xf32>
    %lt3A_244 = arith.cmpf olt, %add3A_243, %select_n3A_227 : vector<2048x128xf32>
    %select_n3A_245 = arith.select %lt3A_244, %add3A_243, %select_n3A_227 : vector<2048x128xi1>, vector<2048x128xf32>
    %jit3A_246 = arith.constant 2.048000e+03 : f32
    %broadcast_in_dim3A_247 = vector.broadcast %jit3A_246 : f32 to vector<2048x128xf32>
    %select_n3A_248 = arith.select %lt3A_244, %broadcast_in_dim3A_247, %select_n3A_230 : vector<2048x128xi1>, vector<2048x128xf32>
    %get3A_249 = arith.constant 0 : index
    %get3A_250 = arith.constant 2176 : index
    %get3A_251 = vector.load %arg3[%get3A_249, %get3A_250] : memref<1x8192xf32, #tpu.memory_space<vmem>>, vector<1x128xf32>
    %add3A_252 = vector.broadcast %broadcast_in_dim3A : vector<2048x1xf32> to vector<2048x128xf32>
    %add3A_253 = vector.broadcast %get3A_251 : vector<1x128xf32> to vector<2048x128xf32>
    %add3A_254 = arith.addf %add3A_252, %add3A_253 : vector<2048x128xf32>
    %slice3A_255 = vector.extract_strided_slice %dot_general3A_235 {offsets = [0, 128], sizes = [2048, 128], strides = [1, 1]} : vector<2048x512xf32> to vector<2048x128xf32>
    %add3A_256 = arith.addf %add3A_254, %slice3A_255 : vector<2048x128xf32>
    %lt3A_257 = arith.cmpf olt, %add3A_256, %select_n3A_245 : vector<2048x128xf32>
    %select_n3A_258 = arith.select %lt3A_257, %add3A_256, %select_n3A_245 : vector<2048x128xi1>, vector<2048x128xf32>
    %jit3A_259 = arith.constant 2.176000e+03 : f32
    %broadcast_in_dim3A_260 = vector.broadcast %jit3A_259 : f32 to vector<2048x128xf32>
    %select_n3A_261 = arith.select %lt3A_257, %broadcast_in_dim3A_260, %select_n3A_248 : vector<2048x128xi1>, vector<2048x128xf32>
    %get3A_262 = arith.constant 0 : index
    %get3A_263 = arith.constant 2304 : index
    %get3A_264 = vector.load %arg3[%get3A_262, %get3A_263] : memref<1x8192xf32, #tpu.memory_space<vmem>>, vector<1x128xf32>
    %add3A_265 = vector.broadcast %broadcast_in_dim3A : vector<2048x1xf32> to vector<2048x128xf32>
    %add3A_266 = vector.broadcast %get3A_264 : vector<1x128xf32> to vector<2048x128xf32>
    %add3A_267 = arith.addf %add3A_265, %add3A_266 : vector<2048x128xf32>
    %slice3A_268 = vector.extract_strided_slice %dot_general3A_235 {offsets = [0, 256], sizes = [2048, 128], strides = [1, 1]} : vector<2048x512xf32> to vector<2048x128xf32>
    %add3A_269 = arith.addf %add3A_267, %slice3A_268 : vector<2048x128xf32>
    %lt3A_270 = arith.cmpf olt, %add3A_269, %select_n3A_258 : vector<2048x128xf32>
    %select_n3A_271 = arith.select %lt3A_270, %add3A_269, %select_n3A_258 : vector<2048x128xi1>, vector<2048x128xf32>
    %jit3A_272 = arith.constant 2.304000e+03 : f32
    %broadcast_in_dim3A_273 = vector.broadcast %jit3A_272 : f32 to vector<2048x128xf32>
    %select_n3A_274 = arith.select %lt3A_270, %broadcast_in_dim3A_273, %select_n3A_261 : vector<2048x128xi1>, vector<2048x128xf32>
    %get3A_275 = arith.constant 0 : index
    %get3A_276 = arith.constant 2432 : index
    %get3A_277 = vector.load %arg3[%get3A_275, %get3A_276] : memref<1x8192xf32, #tpu.memory_space<vmem>>, vector<1x128xf32>
    %add3A_278 = vector.broadcast %broadcast_in_dim3A : vector<2048x1xf32> to vector<2048x128xf32>
    %add3A_279 = vector.broadcast %get3A_277 : vector<1x128xf32> to vector<2048x128xf32>
    %add3A_280 = arith.addf %add3A_278, %add3A_279 : vector<2048x128xf32>
    %slice3A_281 = vector.extract_strided_slice %dot_general3A_235 {offsets = [0, 384], sizes = [2048, 128], strides = [1, 1]} : vector<2048x512xf32> to vector<2048x128xf32>
    %add3A_282 = arith.addf %add3A_280, %slice3A_281 : vector<2048x128xf32>
    %lt3A_283 = arith.cmpf olt, %add3A_282, %select_n3A_271 : vector<2048x128xf32>
    %select_n3A_284 = arith.select %lt3A_283, %add3A_282, %select_n3A_271 : vector<2048x128xi1>, vector<2048x128xf32>
    %jit3A_285 = arith.constant 2.432000e+03 : f32
    %broadcast_in_dim3A_286 = vector.broadcast %jit3A_285 : f32 to vector<2048x128xf32>
    %select_n3A_287 = arith.select %lt3A_283, %broadcast_in_dim3A_286, %select_n3A_274 : vector<2048x128xi1>, vector<2048x128xf32>
    %get3A_288 = arith.constant 2560 : index
    %get3A_289 = arith.constant 0 : index
    %get3A_290 = vector.load %arg6[%get3A_288, %get3A_289] : memref<8192x256xbf16, #tpu.memory_space<vmem>>, vector<512x256xbf16>
    %dot_general3A_291 = arith.constant dense<0.000000e+00> : vector<2048x512xf32>
    %dot_general3A_292 = tpu.matmul %get3A_3, %get3A_290, %dot_general3A_291 {dimension_numbers = #tpu.dot_dimension_numbers<[1], [1], [0], [0], [0, 0, 1, 0], [], []>, transpose_lhs_hint = false} : vector<2048x256xf32>, vector<512x256xbf16>, vector<2048x512xf32> -> vector<2048x512xf32>
    %get3A_293 = arith.constant 0 : index
    %get3A_294 = arith.constant 2560 : index
    %get3A_295 = vector.load %arg3[%get3A_293, %get3A_294] : memref<1x8192xf32, #tpu.memory_space<vmem>>, vector<1x128xf32>
    %add3A_296 = vector.broadcast %broadcast_in_dim3A : vector<2048x1xf32> to vector<2048x128xf32>
    %add3A_297 = vector.broadcast %get3A_295 : vector<1x128xf32> to vector<2048x128xf32>
    %add3A_298 = arith.addf %add3A_296, %add3A_297 : vector<2048x128xf32>
    %slice3A_299 = vector.extract_strided_slice %dot_general3A_292 {offsets = [0, 0], sizes = [2048, 128], strides = [1, 1]} : vector<2048x512xf32> to vector<2048x128xf32>
    %add3A_300 = arith.addf %add3A_298, %slice3A_299 : vector<2048x128xf32>
    %lt3A_301 = arith.cmpf olt, %add3A_300, %select_n3A_284 : vector<2048x128xf32>
    %select_n3A_302 = arith.select %lt3A_301, %add3A_300, %select_n3A_284 : vector<2048x128xi1>, vector<2048x128xf32>
    %jit3A_303 = arith.constant 2.560000e+03 : f32
    %broadcast_in_dim3A_304 = vector.broadcast %jit3A_303 : f32 to vector<2048x128xf32>
    %select_n3A_305 = arith.select %lt3A_301, %broadcast_in_dim3A_304, %select_n3A_287 : vector<2048x128xi1>, vector<2048x128xf32>
    %get3A_306 = arith.constant 0 : index
    %get3A_307 = arith.constant 2688 : index
    %get3A_308 = vector.load %arg3[%get3A_306, %get3A_307] : memref<1x8192xf32, #tpu.memory_space<vmem>>, vector<1x128xf32>
    %add3A_309 = vector.broadcast %broadcast_in_dim3A : vector<2048x1xf32> to vector<2048x128xf32>
    %add3A_310 = vector.broadcast %get3A_308 : vector<1x128xf32> to vector<2048x128xf32>
    %add3A_311 = arith.addf %add3A_309, %add3A_310 : vector<2048x128xf32>
    %slice3A_312 = vector.extract_strided_slice %dot_general3A_292 {offsets = [0, 128], sizes = [2048, 128], strides = [1, 1]} : vector<2048x512xf32> to vector<2048x128xf32>
    %add3A_313 = arith.addf %add3A_311, %slice3A_312 : vector<2048x128xf32>
    %lt3A_314 = arith.cmpf olt, %add3A_313, %select_n3A_302 : vector<2048x128xf32>
    %select_n3A_315 = arith.select %lt3A_314, %add3A_313, %select_n3A_302 : vector<2048x128xi1>, vector<2048x128xf32>
    %jit3A_316 = arith.constant 2.688000e+03 : f32
    %broadcast_in_dim3A_317 = vector.broadcast %jit3A_316 : f32 to vector<2048x128xf32>
    %select_n3A_318 = arith.select %lt3A_314, %broadcast_in_dim3A_317, %select_n3A_305 : vector<2048x128xi1>, vector<2048x128xf32>
    %get3A_319 = arith.constant 0 : index
    %get3A_320 = arith.constant 2816 : index
    %get3A_321 = vector.load %arg3[%get3A_319, %get3A_320] : memref<1x8192xf32, #tpu.memory_space<vmem>>, vector<1x128xf32>
    %add3A_322 = vector.broadcast %broadcast_in_dim3A : vector<2048x1xf32> to vector<2048x128xf32>
    %add3A_323 = vector.broadcast %get3A_321 : vector<1x128xf32> to vector<2048x128xf32>
    %add3A_324 = arith.addf %add3A_322, %add3A_323 : vector<2048x128xf32>
    %slice3A_325 = vector.extract_strided_slice %dot_general3A_292 {offsets = [0, 256], sizes = [2048, 128], strides = [1, 1]} : vector<2048x512xf32> to vector<2048x128xf32>
    %add3A_326 = arith.addf %add3A_324, %slice3A_325 : vector<2048x128xf32>
    %lt3A_327 = arith.cmpf olt, %add3A_326, %select_n3A_315 : vector<2048x128xf32>
    %select_n3A_328 = arith.select %lt3A_327, %add3A_326, %select_n3A_315 : vector<2048x128xi1>, vector<2048x128xf32>
    %jit3A_329 = arith.constant 2.816000e+03 : f32
    %broadcast_in_dim3A_330 = vector.broadcast %jit3A_329 : f32 to vector<2048x128xf32>
    %select_n3A_331 = arith.select %lt3A_327, %broadcast_in_dim3A_330, %select_n3A_318 : vector<2048x128xi1>, vector<2048x128xf32>
    %get3A_332 = arith.constant 0 : index
    %get3A_333 = arith.constant 2944 : index
    %get3A_334 = vector.load %arg3[%get3A_332, %get3A_333] : memref<1x8192xf32, #tpu.memory_space<vmem>>, vector<1x128xf32>
    %add3A_335 = vector.broadcast %broadcast_in_dim3A : vector<2048x1xf32> to vector<2048x128xf32>
    %add3A_336 = vector.broadcast %get3A_334 : vector<1x128xf32> to vector<2048x128xf32>
    %add3A_337 = arith.addf %add3A_335, %add3A_336 : vector<2048x128xf32>
    %slice3A_338 = vector.extract_strided_slice %dot_general3A_292 {offsets = [0, 384], sizes = [2048, 128], strides = [1, 1]} : vector<2048x512xf32> to vector<2048x128xf32>
    %add3A_339 = arith.addf %add3A_337, %slice3A_338 : vector<2048x128xf32>
    %lt3A_340 = arith.cmpf olt, %add3A_339, %select_n3A_328 : vector<2048x128xf32>
    %select_n3A_341 = arith.select %lt3A_340, %add3A_339, %select_n3A_328 : vector<2048x128xi1>, vector<2048x128xf32>
    %jit3A_342 = arith.constant 2.944000e+03 : f32
    %broadcast_in_dim3A_343 = vector.broadcast %jit3A_342 : f32 to vector<2048x128xf32>
    %select_n3A_344 = arith.select %lt3A_340, %broadcast_in_dim3A_343, %select_n3A_331 : vector<2048x128xi1>, vector<2048x128xf32>
    %get3A_345 = arith.constant 3072 : index
    %get3A_346 = arith.constant 0 : index
    %get3A_347 = vector.load %arg6[%get3A_345, %get3A_346] : memref<8192x256xbf16, #tpu.memory_space<vmem>>, vector<512x256xbf16>
    %dot_general3A_348 = arith.constant dense<0.000000e+00> : vector<2048x512xf32>
    %dot_general3A_349 = tpu.matmul %get3A_3, %get3A_347, %dot_general3A_348 {dimension_numbers = #tpu.dot_dimension_numbers<[1], [1], [0], [0], [0, 0, 1, 0], [], []>, transpose_lhs_hint = false} : vector<2048x256xf32>, vector<512x256xbf16>, vector<2048x512xf32> -> vector<2048x512xf32>
    %get3A_350 = arith.constant 0 : index
    %get3A_351 = arith.constant 3072 : index
    %get3A_352 = vector.load %arg3[%get3A_350, %get3A_351] : memref<1x8192xf32, #tpu.memory_space<vmem>>, vector<1x128xf32>
    %add3A_353 = vector.broadcast %broadcast_in_dim3A : vector<2048x1xf32> to vector<2048x128xf32>
    %add3A_354 = vector.broadcast %get3A_352 : vector<1x128xf32> to vector<2048x128xf32>
    %add3A_355 = arith.addf %add3A_353, %add3A_354 : vector<2048x128xf32>
    %slice3A_356 = vector.extract_strided_slice %dot_general3A_349 {offsets = [0, 0], sizes = [2048, 128], strides = [1, 1]} : vector<2048x512xf32> to vector<2048x128xf32>
    %add3A_357 = arith.addf %add3A_355, %slice3A_356 : vector<2048x128xf32>
    %lt3A_358 = arith.cmpf olt, %add3A_357, %select_n3A_341 : vector<2048x128xf32>
    %select_n3A_359 = arith.select %lt3A_358, %add3A_357, %select_n3A_341 : vector<2048x128xi1>, vector<2048x128xf32>
    %jit3A_360 = arith.constant 3.072000e+03 : f32
    %broadcast_in_dim3A_361 = vector.broadcast %jit3A_360 : f32 to vector<2048x128xf32>
    %select_n3A_362 = arith.select %lt3A_358, %broadcast_in_dim3A_361, %select_n3A_344 : vector<2048x128xi1>, vector<2048x128xf32>
    %get3A_363 = arith.constant 0 : index
    %get3A_364 = arith.constant 3200 : index
    %get3A_365 = vector.load %arg3[%get3A_363, %get3A_364] : memref<1x8192xf32, #tpu.memory_space<vmem>>, vector<1x128xf32>
    %add3A_366 = vector.broadcast %broadcast_in_dim3A : vector<2048x1xf32> to vector<2048x128xf32>
    %add3A_367 = vector.broadcast %get3A_365 : vector<1x128xf32> to vector<2048x128xf32>
    %add3A_368 = arith.addf %add3A_366, %add3A_367 : vector<2048x128xf32>
    %slice3A_369 = vector.extract_strided_slice %dot_general3A_349 {offsets = [0, 128], sizes = [2048, 128], strides = [1, 1]} : vector<2048x512xf32> to vector<2048x128xf32>
    %add3A_370 = arith.addf %add3A_368, %slice3A_369 : vector<2048x128xf32>
    %lt3A_371 = arith.cmpf olt, %add3A_370, %select_n3A_359 : vector<2048x128xf32>
    %select_n3A_372 = arith.select %lt3A_371, %add3A_370, %select_n3A_359 : vector<2048x128xi1>, vector<2048x128xf32>
    %jit3A_373 = arith.constant 3.200000e+03 : f32
    %broadcast_in_dim3A_374 = vector.broadcast %jit3A_373 : f32 to vector<2048x128xf32>
    %select_n3A_375 = arith.select %lt3A_371, %broadcast_in_dim3A_374, %select_n3A_362 : vector<2048x128xi1>, vector<2048x128xf32>
    %get3A_376 = arith.constant 0 : index
    %get3A_377 = arith.constant 3328 : index
    %get3A_378 = vector.load %arg3[%get3A_376, %get3A_377] : memref<1x8192xf32, #tpu.memory_space<vmem>>, vector<1x128xf32>
    %add3A_379 = vector.broadcast %broadcast_in_dim3A : vector<2048x1xf32> to vector<2048x128xf32>
    %add3A_380 = vector.broadcast %get3A_378 : vector<1x128xf32> to vector<2048x128xf32>
    %add3A_381 = arith.addf %add3A_379, %add3A_380 : vector<2048x128xf32>
    %slice3A_382 = vector.extract_strided_slice %dot_general3A_349 {offsets = [0, 256], sizes = [2048, 128], strides = [1, 1]} : vector<2048x512xf32> to vector<2048x128xf32>
    %add3A_383 = arith.addf %add3A_381, %slice3A_382 : vector<2048x128xf32>
    %lt3A_384 = arith.cmpf olt, %add3A_383, %select_n3A_372 : vector<2048x128xf32>
    %select_n3A_385 = arith.select %lt3A_384, %add3A_383, %select_n3A_372 : vector<2048x128xi1>, vector<2048x128xf32>
    %jit3A_386 = arith.constant 3.328000e+03 : f32
    %broadcast_in_dim3A_387 = vector.broadcast %jit3A_386 : f32 to vector<2048x128xf32>
    %select_n3A_388 = arith.select %lt3A_384, %broadcast_in_dim3A_387, %select_n3A_375 : vector<2048x128xi1>, vector<2048x128xf32>
    %get3A_389 = arith.constant 0 : index
    %get3A_390 = arith.constant 3456 : index
    %get3A_391 = vector.load %arg3[%get3A_389, %get3A_390] : memref<1x8192xf32, #tpu.memory_space<vmem>>, vector<1x128xf32>
    %add3A_392 = vector.broadcast %broadcast_in_dim3A : vector<2048x1xf32> to vector<2048x128xf32>
    %add3A_393 = vector.broadcast %get3A_391 : vector<1x128xf32> to vector<2048x128xf32>
    %add3A_394 = arith.addf %add3A_392, %add3A_393 : vector<2048x128xf32>
    %slice3A_395 = vector.extract_strided_slice %dot_general3A_349 {offsets = [0, 384], sizes = [2048, 128], strides = [1, 1]} : vector<2048x512xf32> to vector<2048x128xf32>
    %add3A_396 = arith.addf %add3A_394, %slice3A_395 : vector<2048x128xf32>
    %lt3A_397 = arith.cmpf olt, %add3A_396, %select_n3A_385 : vector<2048x128xf32>
    %select_n3A_398 = arith.select %lt3A_397, %add3A_396, %select_n3A_385 : vector<2048x128xi1>, vector<2048x128xf32>
    %jit3A_399 = arith.constant 3.456000e+03 : f32
    %broadcast_in_dim3A_400 = vector.broadcast %jit3A_399 : f32 to vector<2048x128xf32>
    %select_n3A_401 = arith.select %lt3A_397, %broadcast_in_dim3A_400, %select_n3A_388 : vector<2048x128xi1>, vector<2048x128xf32>
    %get3A_402 = arith.constant 3584 : index
    %get3A_403 = arith.constant 0 : index
    %get3A_404 = vector.load %arg6[%get3A_402, %get3A_403] : memref<8192x256xbf16, #tpu.memory_space<vmem>>, vector<512x256xbf16>
    %dot_general3A_405 = arith.constant dense<0.000000e+00> : vector<2048x512xf32>
    %dot_general3A_406 = tpu.matmul %get3A_3, %get3A_404, %dot_general3A_405 {dimension_numbers = #tpu.dot_dimension_numbers<[1], [1], [0], [0], [0, 0, 1, 0], [], []>, transpose_lhs_hint = false} : vector<2048x256xf32>, vector<512x256xbf16>, vector<2048x512xf32> -> vector<2048x512xf32>
    %get3A_407 = arith.constant 0 : index
    %get3A_408 = arith.constant 3584 : index
    %get3A_409 = vector.load %arg3[%get3A_407, %get3A_408] : memref<1x8192xf32, #tpu.memory_space<vmem>>, vector<1x128xf32>
    %add3A_410 = vector.broadcast %broadcast_in_dim3A : vector<2048x1xf32> to vector<2048x128xf32>
    %add3A_411 = vector.broadcast %get3A_409 : vector<1x128xf32> to vector<2048x128xf32>
    %add3A_412 = arith.addf %add3A_410, %add3A_411 : vector<2048x128xf32>
    %slice3A_413 = vector.extract_strided_slice %dot_general3A_406 {offsets = [0, 0], sizes = [2048, 128], strides = [1, 1]} : vector<2048x512xf32> to vector<2048x128xf32>
    %add3A_414 = arith.addf %add3A_412, %slice3A_413 : vector<2048x128xf32>
    %lt3A_415 = arith.cmpf olt, %add3A_414, %select_n3A_398 : vector<2048x128xf32>
    %select_n3A_416 = arith.select %lt3A_415, %add3A_414, %select_n3A_398 : vector<2048x128xi1>, vector<2048x128xf32>
    %jit3A_417 = arith.constant 3.584000e+03 : f32
    %broadcast_in_dim3A_418 = vector.broadcast %jit3A_417 : f32 to vector<2048x128xf32>
    %select_n3A_419 = arith.select %lt3A_415, %broadcast_in_dim3A_418, %select_n3A_401 : vector<2048x128xi1>, vector<2048x128xf32>
    %get3A_420 = arith.constant 0 : index
    %get3A_421 = arith.constant 3712 : index
    %get3A_422 = vector.load %arg3[%get3A_420, %get3A_421] : memref<1x8192xf32, #tpu.memory_space<vmem>>, vector<1x128xf32>
    %add3A_423 = vector.broadcast %broadcast_in_dim3A : vector<2048x1xf32> to vector<2048x128xf32>
    %add3A_424 = vector.broadcast %get3A_422 : vector<1x128xf32> to vector<2048x128xf32>
    %add3A_425 = arith.addf %add3A_423, %add3A_424 : vector<2048x128xf32>
    %slice3A_426 = vector.extract_strided_slice %dot_general3A_406 {offsets = [0, 128], sizes = [2048, 128], strides = [1, 1]} : vector<2048x512xf32> to vector<2048x128xf32>
    %add3A_427 = arith.addf %add3A_425, %slice3A_426 : vector<2048x128xf32>
    %lt3A_428 = arith.cmpf olt, %add3A_427, %select_n3A_416 : vector<2048x128xf32>
    %select_n3A_429 = arith.select %lt3A_428, %add3A_427, %select_n3A_416 : vector<2048x128xi1>, vector<2048x128xf32>
    %jit3A_430 = arith.constant 3.712000e+03 : f32
    %broadcast_in_dim3A_431 = vector.broadcast %jit3A_430 : f32 to vector<2048x128xf32>
    %select_n3A_432 = arith.select %lt3A_428, %broadcast_in_dim3A_431, %select_n3A_419 : vector<2048x128xi1>, vector<2048x128xf32>
    %get3A_433 = arith.constant 0 : index
    %get3A_434 = arith.constant 3840 : index
    %get3A_435 = vector.load %arg3[%get3A_433, %get3A_434] : memref<1x8192xf32, #tpu.memory_space<vmem>>, vector<1x128xf32>
    %add3A_436 = vector.broadcast %broadcast_in_dim3A : vector<2048x1xf32> to vector<2048x128xf32>
    %add3A_437 = vector.broadcast %get3A_435 : vector<1x128xf32> to vector<2048x128xf32>
    %add3A_438 = arith.addf %add3A_436, %add3A_437 : vector<2048x128xf32>
    %slice3A_439 = vector.extract_strided_slice %dot_general3A_406 {offsets = [0, 256], sizes = [2048, 128], strides = [1, 1]} : vector<2048x512xf32> to vector<2048x128xf32>
    %add3A_440 = arith.addf %add3A_438, %slice3A_439 : vector<2048x128xf32>
    %lt3A_441 = arith.cmpf olt, %add3A_440, %select_n3A_429 : vector<2048x128xf32>
    %select_n3A_442 = arith.select %lt3A_441, %add3A_440, %select_n3A_429 : vector<2048x128xi1>, vector<2048x128xf32>
    %jit3A_443 = arith.constant 3.840000e+03 : f32
    %broadcast_in_dim3A_444 = vector.broadcast %jit3A_443 : f32 to vector<2048x128xf32>
    %select_n3A_445 = arith.select %lt3A_441, %broadcast_in_dim3A_444, %select_n3A_432 : vector<2048x128xi1>, vector<2048x128xf32>
    %get3A_446 = arith.constant 0 : index
    %get3A_447 = arith.constant 3968 : index
    %get3A_448 = vector.load %arg3[%get3A_446, %get3A_447] : memref<1x8192xf32, #tpu.memory_space<vmem>>, vector<1x128xf32>
    %add3A_449 = vector.broadcast %broadcast_in_dim3A : vector<2048x1xf32> to vector<2048x128xf32>
    %add3A_450 = vector.broadcast %get3A_448 : vector<1x128xf32> to vector<2048x128xf32>
    %add3A_451 = arith.addf %add3A_449, %add3A_450 : vector<2048x128xf32>
    %slice3A_452 = vector.extract_strided_slice %dot_general3A_406 {offsets = [0, 384], sizes = [2048, 128], strides = [1, 1]} : vector<2048x512xf32> to vector<2048x128xf32>
    %add3A_453 = arith.addf %add3A_451, %slice3A_452 : vector<2048x128xf32>
    %lt3A_454 = arith.cmpf olt, %add3A_453, %select_n3A_442 : vector<2048x128xf32>
    %select_n3A_455 = arith.select %lt3A_454, %add3A_453, %select_n3A_442 : vector<2048x128xi1>, vector<2048x128xf32>
    %jit3A_456 = arith.constant 3.968000e+03 : f32
    %broadcast_in_dim3A_457 = vector.broadcast %jit3A_456 : f32 to vector<2048x128xf32>
    %select_n3A_458 = arith.select %lt3A_454, %broadcast_in_dim3A_457, %select_n3A_445 : vector<2048x128xi1>, vector<2048x128xf32>
    %get3A_459 = arith.constant 4096 : index
    %get3A_460 = arith.constant 0 : index
    %get3A_461 = vector.load %arg6[%get3A_459, %get3A_460] : memref<8192x256xbf16, #tpu.memory_space<vmem>>, vector<512x256xbf16>
    %dot_general3A_462 = arith.constant dense<0.000000e+00> : vector<2048x512xf32>
    %dot_general3A_463 = tpu.matmul %get3A_3, %get3A_461, %dot_general3A_462 {dimension_numbers = #tpu.dot_dimension_numbers<[1], [1], [0], [0], [0, 0, 1, 0], [], []>, transpose_lhs_hint = false} : vector<2048x256xf32>, vector<512x256xbf16>, vector<2048x512xf32> -> vector<2048x512xf32>
    %get3A_464 = arith.constant 0 : index
    %get3A_465 = arith.constant 4096 : index
    %get3A_466 = vector.load %arg3[%get3A_464, %get3A_465] : memref<1x8192xf32, #tpu.memory_space<vmem>>, vector<1x128xf32>
    %add3A_467 = vector.broadcast %broadcast_in_dim3A : vector<2048x1xf32> to vector<2048x128xf32>
    %add3A_468 = vector.broadcast %get3A_466 : vector<1x128xf32> to vector<2048x128xf32>
    %add3A_469 = arith.addf %add3A_467, %add3A_468 : vector<2048x128xf32>
    %slice3A_470 = vector.extract_strided_slice %dot_general3A_463 {offsets = [0, 0], sizes = [2048, 128], strides = [1, 1]} : vector<2048x512xf32> to vector<2048x128xf32>
    %add3A_471 = arith.addf %add3A_469, %slice3A_470 : vector<2048x128xf32>
    %lt3A_472 = arith.cmpf olt, %add3A_471, %select_n3A_455 : vector<2048x128xf32>
    %select_n3A_473 = arith.select %lt3A_472, %add3A_471, %select_n3A_455 : vector<2048x128xi1>, vector<2048x128xf32>
    %jit3A_474 = arith.constant 4.096000e+03 : f32
    %broadcast_in_dim3A_475 = vector.broadcast %jit3A_474 : f32 to vector<2048x128xf32>
    %select_n3A_476 = arith.select %lt3A_472, %broadcast_in_dim3A_475, %select_n3A_458 : vector<2048x128xi1>, vector<2048x128xf32>
    %get3A_477 = arith.constant 0 : index
    %get3A_478 = arith.constant 4224 : index
    %get3A_479 = vector.load %arg3[%get3A_477, %get3A_478] : memref<1x8192xf32, #tpu.memory_space<vmem>>, vector<1x128xf32>
    %add3A_480 = vector.broadcast %broadcast_in_dim3A : vector<2048x1xf32> to vector<2048x128xf32>
    %add3A_481 = vector.broadcast %get3A_479 : vector<1x128xf32> to vector<2048x128xf32>
    %add3A_482 = arith.addf %add3A_480, %add3A_481 : vector<2048x128xf32>
    %slice3A_483 = vector.extract_strided_slice %dot_general3A_463 {offsets = [0, 128], sizes = [2048, 128], strides = [1, 1]} : vector<2048x512xf32> to vector<2048x128xf32>
    %add3A_484 = arith.addf %add3A_482, %slice3A_483 : vector<2048x128xf32>
    %lt3A_485 = arith.cmpf olt, %add3A_484, %select_n3A_473 : vector<2048x128xf32>
    %select_n3A_486 = arith.select %lt3A_485, %add3A_484, %select_n3A_473 : vector<2048x128xi1>, vector<2048x128xf32>
    %jit3A_487 = arith.constant 4.224000e+03 : f32
    %broadcast_in_dim3A_488 = vector.broadcast %jit3A_487 : f32 to vector<2048x128xf32>
    %select_n3A_489 = arith.select %lt3A_485, %broadcast_in_dim3A_488, %select_n3A_476 : vector<2048x128xi1>, vector<2048x128xf32>
    %get3A_490 = arith.constant 0 : index
    %get3A_491 = arith.constant 4352 : index
    %get3A_492 = vector.load %arg3[%get3A_490, %get3A_491] : memref<1x8192xf32, #tpu.memory_space<vmem>>, vector<1x128xf32>
    %add3A_493 = vector.broadcast %broadcast_in_dim3A : vector<2048x1xf32> to vector<2048x128xf32>
    %add3A_494 = vector.broadcast %get3A_492 : vector<1x128xf32> to vector<2048x128xf32>
    %add3A_495 = arith.addf %add3A_493, %add3A_494 : vector<2048x128xf32>
    %slice3A_496 = vector.extract_strided_slice %dot_general3A_463 {offsets = [0, 256], sizes = [2048, 128], strides = [1, 1]} : vector<2048x512xf32> to vector<2048x128xf32>
    %add3A_497 = arith.addf %add3A_495, %slice3A_496 : vector<2048x128xf32>
    %lt3A_498 = arith.cmpf olt, %add3A_497, %select_n3A_486 : vector<2048x128xf32>
    %select_n3A_499 = arith.select %lt3A_498, %add3A_497, %select_n3A_486 : vector<2048x128xi1>, vector<2048x128xf32>
    %jit3A_500 = arith.constant 4.352000e+03 : f32
    %broadcast_in_dim3A_501 = vector.broadcast %jit3A_500 : f32 to vector<2048x128xf32>
    %select_n3A_502 = arith.select %lt3A_498, %broadcast_in_dim3A_501, %select_n3A_489 : vector<2048x128xi1>, vector<2048x128xf32>
    %get3A_503 = arith.constant 0 : index
    %get3A_504 = arith.constant 4480 : index
    %get3A_505 = vector.load %arg3[%get3A_503, %get3A_504] : memref<1x8192xf32, #tpu.memory_space<vmem>>, vector<1x128xf32>
    %add3A_506 = vector.broadcast %broadcast_in_dim3A : vector<2048x1xf32> to vector<2048x128xf32>
    %add3A_507 = vector.broadcast %get3A_505 : vector<1x128xf32> to vector<2048x128xf32>
    %add3A_508 = arith.addf %add3A_506, %add3A_507 : vector<2048x128xf32>
    %slice3A_509 = vector.extract_strided_slice %dot_general3A_463 {offsets = [0, 384], sizes = [2048, 128], strides = [1, 1]} : vector<2048x512xf32> to vector<2048x128xf32>
    %add3A_510 = arith.addf %add3A_508, %slice3A_509 : vector<2048x128xf32>
    %lt3A_511 = arith.cmpf olt, %add3A_510, %select_n3A_499 : vector<2048x128xf32>
    %select_n3A_512 = arith.select %lt3A_511, %add3A_510, %select_n3A_499 : vector<2048x128xi1>, vector<2048x128xf32>
    %jit3A_513 = arith.constant 4.480000e+03 : f32
    %broadcast_in_dim3A_514 = vector.broadcast %jit3A_513 : f32 to vector<2048x128xf32>
    %select_n3A_515 = arith.select %lt3A_511, %broadcast_in_dim3A_514, %select_n3A_502 : vector<2048x128xi1>, vector<2048x128xf32>
    %get3A_516 = arith.constant 4608 : index
    %get3A_517 = arith.constant 0 : index
    %get3A_518 = vector.load %arg6[%get3A_516, %get3A_517] : memref<8192x256xbf16, #tpu.memory_space<vmem>>, vector<512x256xbf16>
    %dot_general3A_519 = arith.constant dense<0.000000e+00> : vector<2048x512xf32>
    %dot_general3A_520 = tpu.matmul %get3A_3, %get3A_518, %dot_general3A_519 {dimension_numbers = #tpu.dot_dimension_numbers<[1], [1], [0], [0], [0, 0, 1, 0], [], []>, transpose_lhs_hint = false} : vector<2048x256xf32>, vector<512x256xbf16>, vector<2048x512xf32> -> vector<2048x512xf32>
    %get3A_521 = arith.constant 0 : index
    %get3A_522 = arith.constant 4608 : index
    %get3A_523 = vector.load %arg3[%get3A_521, %get3A_522] : memref<1x8192xf32, #tpu.memory_space<vmem>>, vector<1x128xf32>
    %add3A_524 = vector.broadcast %broadcast_in_dim3A : vector<2048x1xf32> to vector<2048x128xf32>
    %add3A_525 = vector.broadcast %get3A_523 : vector<1x128xf32> to vector<2048x128xf32>
    %add3A_526 = arith.addf %add3A_524, %add3A_525 : vector<2048x128xf32>
    %slice3A_527 = vector.extract_strided_slice %dot_general3A_520 {offsets = [0, 0], sizes = [2048, 128], strides = [1, 1]} : vector<2048x512xf32> to vector<2048x128xf32>
    %add3A_528 = arith.addf %add3A_526, %slice3A_527 : vector<2048x128xf32>
    %lt3A_529 = arith.cmpf olt, %add3A_528, %select_n3A_512 : vector<2048x128xf32>
    %select_n3A_530 = arith.select %lt3A_529, %add3A_528, %select_n3A_512 : vector<2048x128xi1>, vector<2048x128xf32>
    %jit3A_531 = arith.constant 4.608000e+03 : f32
    %broadcast_in_dim3A_532 = vector.broadcast %jit3A_531 : f32 to vector<2048x128xf32>
    %select_n3A_533 = arith.select %lt3A_529, %broadcast_in_dim3A_532, %select_n3A_515 : vector<2048x128xi1>, vector<2048x128xf32>
    %get3A_534 = arith.constant 0 : index
    %get3A_535 = arith.constant 4736 : index
    %get3A_536 = vector.load %arg3[%get3A_534, %get3A_535] : memref<1x8192xf32, #tpu.memory_space<vmem>>, vector<1x128xf32>
    %add3A_537 = vector.broadcast %broadcast_in_dim3A : vector<2048x1xf32> to vector<2048x128xf32>
    %add3A_538 = vector.broadcast %get3A_536 : vector<1x128xf32> to vector<2048x128xf32>
    %add3A_539 = arith.addf %add3A_537, %add3A_538 : vector<2048x128xf32>
    %slice3A_540 = vector.extract_strided_slice %dot_general3A_520 {offsets = [0, 128], sizes = [2048, 128], strides = [1, 1]} : vector<2048x512xf32> to vector<2048x128xf32>
    %add3A_541 = arith.addf %add3A_539, %slice3A_540 : vector<2048x128xf32>
    %lt3A_542 = arith.cmpf olt, %add3A_541, %select_n3A_530 : vector<2048x128xf32>
    %select_n3A_543 = arith.select %lt3A_542, %add3A_541, %select_n3A_530 : vector<2048x128xi1>, vector<2048x128xf32>
    %jit3A_544 = arith.constant 4.736000e+03 : f32
    %broadcast_in_dim3A_545 = vector.broadcast %jit3A_544 : f32 to vector<2048x128xf32>
    %select_n3A_546 = arith.select %lt3A_542, %broadcast_in_dim3A_545, %select_n3A_533 : vector<2048x128xi1>, vector<2048x128xf32>
    %get3A_547 = arith.constant 0 : index
    %get3A_548 = arith.constant 4864 : index
    %get3A_549 = vector.load %arg3[%get3A_547, %get3A_548] : memref<1x8192xf32, #tpu.memory_space<vmem>>, vector<1x128xf32>
    %add3A_550 = vector.broadcast %broadcast_in_dim3A : vector<2048x1xf32> to vector<2048x128xf32>
    %add3A_551 = vector.broadcast %get3A_549 : vector<1x128xf32> to vector<2048x128xf32>
    %add3A_552 = arith.addf %add3A_550, %add3A_551 : vector<2048x128xf32>
    %slice3A_553 = vector.extract_strided_slice %dot_general3A_520 {offsets = [0, 256], sizes = [2048, 128], strides = [1, 1]} : vector<2048x512xf32> to vector<2048x128xf32>
    %add3A_554 = arith.addf %add3A_552, %slice3A_553 : vector<2048x128xf32>
    %lt3A_555 = arith.cmpf olt, %add3A_554, %select_n3A_543 : vector<2048x128xf32>
    %select_n3A_556 = arith.select %lt3A_555, %add3A_554, %select_n3A_543 : vector<2048x128xi1>, vector<2048x128xf32>
    %jit3A_557 = arith.constant 4.864000e+03 : f32
    %broadcast_in_dim3A_558 = vector.broadcast %jit3A_557 : f32 to vector<2048x128xf32>
    %select_n3A_559 = arith.select %lt3A_555, %broadcast_in_dim3A_558, %select_n3A_546 : vector<2048x128xi1>, vector<2048x128xf32>
    %get3A_560 = arith.constant 0 : index
    %get3A_561 = arith.constant 4992 : index
    %get3A_562 = vector.load %arg3[%get3A_560, %get3A_561] : memref<1x8192xf32, #tpu.memory_space<vmem>>, vector<1x128xf32>
    %add3A_563 = vector.broadcast %broadcast_in_dim3A : vector<2048x1xf32> to vector<2048x128xf32>
    %add3A_564 = vector.broadcast %get3A_562 : vector<1x128xf32> to vector<2048x128xf32>
    %add3A_565 = arith.addf %add3A_563, %add3A_564 : vector<2048x128xf32>
    %slice3A_566 = vector.extract_strided_slice %dot_general3A_520 {offsets = [0, 384], sizes = [2048, 128], strides = [1, 1]} : vector<2048x512xf32> to vector<2048x128xf32>
    %add3A_567 = arith.addf %add3A_565, %slice3A_566 : vector<2048x128xf32>
    %lt3A_568 = arith.cmpf olt, %add3A_567, %select_n3A_556 : vector<2048x128xf32>
    %select_n3A_569 = arith.select %lt3A_568, %add3A_567, %select_n3A_556 : vector<2048x128xi1>, vector<2048x128xf32>
    %jit3A_570 = arith.constant 4.992000e+03 : f32
    %broadcast_in_dim3A_571 = vector.broadcast %jit3A_570 : f32 to vector<2048x128xf32>
    %select_n3A_572 = arith.select %lt3A_568, %broadcast_in_dim3A_571, %select_n3A_559 : vector<2048x128xi1>, vector<2048x128xf32>
    %get3A_573 = arith.constant 5120 : index
    %get3A_574 = arith.constant 0 : index
    %get3A_575 = vector.load %arg6[%get3A_573, %get3A_574] : memref<8192x256xbf16, #tpu.memory_space<vmem>>, vector<512x256xbf16>
    %dot_general3A_576 = arith.constant dense<0.000000e+00> : vector<2048x512xf32>
    %dot_general3A_577 = tpu.matmul %get3A_3, %get3A_575, %dot_general3A_576 {dimension_numbers = #tpu.dot_dimension_numbers<[1], [1], [0], [0], [0, 0, 1, 0], [], []>, transpose_lhs_hint = false} : vector<2048x256xf32>, vector<512x256xbf16>, vector<2048x512xf32> -> vector<2048x512xf32>
    %get3A_578 = arith.constant 0 : index
    %get3A_579 = arith.constant 5120 : index
    %get3A_580 = vector.load %arg3[%get3A_578, %get3A_579] : memref<1x8192xf32, #tpu.memory_space<vmem>>, vector<1x128xf32>
    %add3A_581 = vector.broadcast %broadcast_in_dim3A : vector<2048x1xf32> to vector<2048x128xf32>
    %add3A_582 = vector.broadcast %get3A_580 : vector<1x128xf32> to vector<2048x128xf32>
    %add3A_583 = arith.addf %add3A_581, %add3A_582 : vector<2048x128xf32>
    %slice3A_584 = vector.extract_strided_slice %dot_general3A_577 {offsets = [0, 0], sizes = [2048, 128], strides = [1, 1]} : vector<2048x512xf32> to vector<2048x128xf32>
    %add3A_585 = arith.addf %add3A_583, %slice3A_584 : vector<2048x128xf32>
    %lt3A_586 = arith.cmpf olt, %add3A_585, %select_n3A_569 : vector<2048x128xf32>
    %select_n3A_587 = arith.select %lt3A_586, %add3A_585, %select_n3A_569 : vector<2048x128xi1>, vector<2048x128xf32>
    %jit3A_588 = arith.constant 5.120000e+03 : f32
    %broadcast_in_dim3A_589 = vector.broadcast %jit3A_588 : f32 to vector<2048x128xf32>
    %select_n3A_590 = arith.select %lt3A_586, %broadcast_in_dim3A_589, %select_n3A_572 : vector<2048x128xi1>, vector<2048x128xf32>
    %get3A_591 = arith.constant 0 : index
    %get3A_592 = arith.constant 5248 : index
    %get3A_593 = vector.load %arg3[%get3A_591, %get3A_592] : memref<1x8192xf32, #tpu.memory_space<vmem>>, vector<1x128xf32>
    %add3A_594 = vector.broadcast %broadcast_in_dim3A : vector<2048x1xf32> to vector<2048x128xf32>
    %add3A_595 = vector.broadcast %get3A_593 : vector<1x128xf32> to vector<2048x128xf32>
    %add3A_596 = arith.addf %add3A_594, %add3A_595 : vector<2048x128xf32>
    %slice3A_597 = vector.extract_strided_slice %dot_general3A_577 {offsets = [0, 128], sizes = [2048, 128], strides = [1, 1]} : vector<2048x512xf32> to vector<2048x128xf32>
    %add3A_598 = arith.addf %add3A_596, %slice3A_597 : vector<2048x128xf32>
    %lt3A_599 = arith.cmpf olt, %add3A_598, %select_n3A_587 : vector<2048x128xf32>
    %select_n3A_600 = arith.select %lt3A_599, %add3A_598, %select_n3A_587 : vector<2048x128xi1>, vector<2048x128xf32>
    %jit3A_601 = arith.constant 5.248000e+03 : f32
    %broadcast_in_dim3A_602 = vector.broadcast %jit3A_601 : f32 to vector<2048x128xf32>
    %select_n3A_603 = arith.select %lt3A_599, %broadcast_in_dim3A_602, %select_n3A_590 : vector<2048x128xi1>, vector<2048x128xf32>
    %get3A_604 = arith.constant 0 : index
    %get3A_605 = arith.constant 5376 : index
    %get3A_606 = vector.load %arg3[%get3A_604, %get3A_605] : memref<1x8192xf32, #tpu.memory_space<vmem>>, vector<1x128xf32>
    %add3A_607 = vector.broadcast %broadcast_in_dim3A : vector<2048x1xf32> to vector<2048x128xf32>
    %add3A_608 = vector.broadcast %get3A_606 : vector<1x128xf32> to vector<2048x128xf32>
    %add3A_609 = arith.addf %add3A_607, %add3A_608 : vector<2048x128xf32>
    %slice3A_610 = vector.extract_strided_slice %dot_general3A_577 {offsets = [0, 256], sizes = [2048, 128], strides = [1, 1]} : vector<2048x512xf32> to vector<2048x128xf32>
    %add3A_611 = arith.addf %add3A_609, %slice3A_610 : vector<2048x128xf32>
    %lt3A_612 = arith.cmpf olt, %add3A_611, %select_n3A_600 : vector<2048x128xf32>
    %select_n3A_613 = arith.select %lt3A_612, %add3A_611, %select_n3A_600 : vector<2048x128xi1>, vector<2048x128xf32>
    %jit3A_614 = arith.constant 5.376000e+03 : f32
    %broadcast_in_dim3A_615 = vector.broadcast %jit3A_614 : f32 to vector<2048x128xf32>
    %select_n3A_616 = arith.select %lt3A_612, %broadcast_in_dim3A_615, %select_n3A_603 : vector<2048x128xi1>, vector<2048x128xf32>
    %get3A_617 = arith.constant 0 : index
    %get3A_618 = arith.constant 5504 : index
    %get3A_619 = vector.load %arg3[%get3A_617, %get3A_618] : memref<1x8192xf32, #tpu.memory_space<vmem>>, vector<1x128xf32>
    %add3A_620 = vector.broadcast %broadcast_in_dim3A : vector<2048x1xf32> to vector<2048x128xf32>
    %add3A_621 = vector.broadcast %get3A_619 : vector<1x128xf32> to vector<2048x128xf32>
    %add3A_622 = arith.addf %add3A_620, %add3A_621 : vector<2048x128xf32>
    %slice3A_623 = vector.extract_strided_slice %dot_general3A_577 {offsets = [0, 384], sizes = [2048, 128], strides = [1, 1]} : vector<2048x512xf32> to vector<2048x128xf32>
    %add3A_624 = arith.addf %add3A_622, %slice3A_623 : vector<2048x128xf32>
    %lt3A_625 = arith.cmpf olt, %add3A_624, %select_n3A_613 : vector<2048x128xf32>
    %select_n3A_626 = arith.select %lt3A_625, %add3A_624, %select_n3A_613 : vector<2048x128xi1>, vector<2048x128xf32>
    %jit3A_627 = arith.constant 5.504000e+03 : f32
    %broadcast_in_dim3A_628 = vector.broadcast %jit3A_627 : f32 to vector<2048x128xf32>
    %select_n3A_629 = arith.select %lt3A_625, %broadcast_in_dim3A_628, %select_n3A_616 : vector<2048x128xi1>, vector<2048x128xf32>
    %get3A_630 = arith.constant 5632 : index
    %get3A_631 = arith.constant 0 : index
    %get3A_632 = vector.load %arg6[%get3A_630, %get3A_631] : memref<8192x256xbf16, #tpu.memory_space<vmem>>, vector<512x256xbf16>
    %dot_general3A_633 = arith.constant dense<0.000000e+00> : vector<2048x512xf32>
    %dot_general3A_634 = tpu.matmul %get3A_3, %get3A_632, %dot_general3A_633 {dimension_numbers = #tpu.dot_dimension_numbers<[1], [1], [0], [0], [0, 0, 1, 0], [], []>, transpose_lhs_hint = false} : vector<2048x256xf32>, vector<512x256xbf16>, vector<2048x512xf32> -> vector<2048x512xf32>
    %get3A_635 = arith.constant 0 : index
    %get3A_636 = arith.constant 5632 : index
    %get3A_637 = vector.load %arg3[%get3A_635, %get3A_636] : memref<1x8192xf32, #tpu.memory_space<vmem>>, vector<1x128xf32>
    %add3A_638 = vector.broadcast %broadcast_in_dim3A : vector<2048x1xf32> to vector<2048x128xf32>
    %add3A_639 = vector.broadcast %get3A_637 : vector<1x128xf32> to vector<2048x128xf32>
    %add3A_640 = arith.addf %add3A_638, %add3A_639 : vector<2048x128xf32>
    %slice3A_641 = vector.extract_strided_slice %dot_general3A_634 {offsets = [0, 0], sizes = [2048, 128], strides = [1, 1]} : vector<2048x512xf32> to vector<2048x128xf32>
    %add3A_642 = arith.addf %add3A_640, %slice3A_641 : vector<2048x128xf32>
    %lt3A_643 = arith.cmpf olt, %add3A_642, %select_n3A_626 : vector<2048x128xf32>
    %select_n3A_644 = arith.select %lt3A_643, %add3A_642, %select_n3A_626 : vector<2048x128xi1>, vector<2048x128xf32>
    %jit3A_645 = arith.constant 5.632000e+03 : f32
    %broadcast_in_dim3A_646 = vector.broadcast %jit3A_645 : f32 to vector<2048x128xf32>
    %select_n3A_647 = arith.select %lt3A_643, %broadcast_in_dim3A_646, %select_n3A_629 : vector<2048x128xi1>, vector<2048x128xf32>
    %get3A_648 = arith.constant 0 : index
    %get3A_649 = arith.constant 5760 : index
    %get3A_650 = vector.load %arg3[%get3A_648, %get3A_649] : memref<1x8192xf32, #tpu.memory_space<vmem>>, vector<1x128xf32>
    %add3A_651 = vector.broadcast %broadcast_in_dim3A : vector<2048x1xf32> to vector<2048x128xf32>
    %add3A_652 = vector.broadcast %get3A_650 : vector<1x128xf32> to vector<2048x128xf32>
    %add3A_653 = arith.addf %add3A_651, %add3A_652 : vector<2048x128xf32>
    %slice3A_654 = vector.extract_strided_slice %dot_general3A_634 {offsets = [0, 128], sizes = [2048, 128], strides = [1, 1]} : vector<2048x512xf32> to vector<2048x128xf32>
    %add3A_655 = arith.addf %add3A_653, %slice3A_654 : vector<2048x128xf32>
    %lt3A_656 = arith.cmpf olt, %add3A_655, %select_n3A_644 : vector<2048x128xf32>
    %select_n3A_657 = arith.select %lt3A_656, %add3A_655, %select_n3A_644 : vector<2048x128xi1>, vector<2048x128xf32>
    %jit3A_658 = arith.constant 5.760000e+03 : f32
    %broadcast_in_dim3A_659 = vector.broadcast %jit3A_658 : f32 to vector<2048x128xf32>
    %select_n3A_660 = arith.select %lt3A_656, %broadcast_in_dim3A_659, %select_n3A_647 : vector<2048x128xi1>, vector<2048x128xf32>
    %get3A_661 = arith.constant 0 : index
    %get3A_662 = arith.constant 5888 : index
    %get3A_663 = vector.load %arg3[%get3A_661, %get3A_662] : memref<1x8192xf32, #tpu.memory_space<vmem>>, vector<1x128xf32>
    %add3A_664 = vector.broadcast %broadcast_in_dim3A : vector<2048x1xf32> to vector<2048x128xf32>
    %add3A_665 = vector.broadcast %get3A_663 : vector<1x128xf32> to vector<2048x128xf32>
    %add3A_666 = arith.addf %add3A_664, %add3A_665 : vector<2048x128xf32>
    %slice3A_667 = vector.extract_strided_slice %dot_general3A_634 {offsets = [0, 256], sizes = [2048, 128], strides = [1, 1]} : vector<2048x512xf32> to vector<2048x128xf32>
    %add3A_668 = arith.addf %add3A_666, %slice3A_667 : vector<2048x128xf32>
    %lt3A_669 = arith.cmpf olt, %add3A_668, %select_n3A_657 : vector<2048x128xf32>
    %select_n3A_670 = arith.select %lt3A_669, %add3A_668, %select_n3A_657 : vector<2048x128xi1>, vector<2048x128xf32>
    %jit3A_671 = arith.constant 5.888000e+03 : f32
    %broadcast_in_dim3A_672 = vector.broadcast %jit3A_671 : f32 to vector<2048x128xf32>
    %select_n3A_673 = arith.select %lt3A_669, %broadcast_in_dim3A_672, %select_n3A_660 : vector<2048x128xi1>, vector<2048x128xf32>
    %get3A_674 = arith.constant 0 : index
    %get3A_675 = arith.constant 6016 : index
    %get3A_676 = vector.load %arg3[%get3A_674, %get3A_675] : memref<1x8192xf32, #tpu.memory_space<vmem>>, vector<1x128xf32>
    %add3A_677 = vector.broadcast %broadcast_in_dim3A : vector<2048x1xf32> to vector<2048x128xf32>
    %add3A_678 = vector.broadcast %get3A_676 : vector<1x128xf32> to vector<2048x128xf32>
    %add3A_679 = arith.addf %add3A_677, %add3A_678 : vector<2048x128xf32>
    %slice3A_680 = vector.extract_strided_slice %dot_general3A_634 {offsets = [0, 384], sizes = [2048, 128], strides = [1, 1]} : vector<2048x512xf32> to vector<2048x128xf32>
    %add3A_681 = arith.addf %add3A_679, %slice3A_680 : vector<2048x128xf32>
    %lt3A_682 = arith.cmpf olt, %add3A_681, %select_n3A_670 : vector<2048x128xf32>
    %select_n3A_683 = arith.select %lt3A_682, %add3A_681, %select_n3A_670 : vector<2048x128xi1>, vector<2048x128xf32>
    %jit3A_684 = arith.constant 6.016000e+03 : f32
    %broadcast_in_dim3A_685 = vector.broadcast %jit3A_684 : f32 to vector<2048x128xf32>
    %select_n3A_686 = arith.select %lt3A_682, %broadcast_in_dim3A_685, %select_n3A_673 : vector<2048x128xi1>, vector<2048x128xf32>
    %get3A_687 = arith.constant 6144 : index
    %get3A_688 = arith.constant 0 : index
    %get3A_689 = vector.load %arg6[%get3A_687, %get3A_688] : memref<8192x256xbf16, #tpu.memory_space<vmem>>, vector<512x256xbf16>
    %dot_general3A_690 = arith.constant dense<0.000000e+00> : vector<2048x512xf32>
    %dot_general3A_691 = tpu.matmul %get3A_3, %get3A_689, %dot_general3A_690 {dimension_numbers = #tpu.dot_dimension_numbers<[1], [1], [0], [0], [0, 0, 1, 0], [], []>, transpose_lhs_hint = false} : vector<2048x256xf32>, vector<512x256xbf16>, vector<2048x512xf32> -> vector<2048x512xf32>
    %get3A_692 = arith.constant 0 : index
    %get3A_693 = arith.constant 6144 : index
    %get3A_694 = vector.load %arg3[%get3A_692, %get3A_693] : memref<1x8192xf32, #tpu.memory_space<vmem>>, vector<1x128xf32>
    %add3A_695 = vector.broadcast %broadcast_in_dim3A : vector<2048x1xf32> to vector<2048x128xf32>
    %add3A_696 = vector.broadcast %get3A_694 : vector<1x128xf32> to vector<2048x128xf32>
    %add3A_697 = arith.addf %add3A_695, %add3A_696 : vector<2048x128xf32>
    %slice3A_698 = vector.extract_strided_slice %dot_general3A_691 {offsets = [0, 0], sizes = [2048, 128], strides = [1, 1]} : vector<2048x512xf32> to vector<2048x128xf32>
    %add3A_699 = arith.addf %add3A_697, %slice3A_698 : vector<2048x128xf32>
    %lt3A_700 = arith.cmpf olt, %add3A_699, %select_n3A_683 : vector<2048x128xf32>
    %select_n3A_701 = arith.select %lt3A_700, %add3A_699, %select_n3A_683 : vector<2048x128xi1>, vector<2048x128xf32>
    %jit3A_702 = arith.constant 6.144000e+03 : f32
    %broadcast_in_dim3A_703 = vector.broadcast %jit3A_702 : f32 to vector<2048x128xf32>
    %select_n3A_704 = arith.select %lt3A_700, %broadcast_in_dim3A_703, %select_n3A_686 : vector<2048x128xi1>, vector<2048x128xf32>
    %get3A_705 = arith.constant 0 : index
    %get3A_706 = arith.constant 6272 : index
    %get3A_707 = vector.load %arg3[%get3A_705, %get3A_706] : memref<1x8192xf32, #tpu.memory_space<vmem>>, vector<1x128xf32>
    %add3A_708 = vector.broadcast %broadcast_in_dim3A : vector<2048x1xf32> to vector<2048x128xf32>
    %add3A_709 = vector.broadcast %get3A_707 : vector<1x128xf32> to vector<2048x128xf32>
    %add3A_710 = arith.addf %add3A_708, %add3A_709 : vector<2048x128xf32>
    %slice3A_711 = vector.extract_strided_slice %dot_general3A_691 {offsets = [0, 128], sizes = [2048, 128], strides = [1, 1]} : vector<2048x512xf32> to vector<2048x128xf32>
    %add3A_712 = arith.addf %add3A_710, %slice3A_711 : vector<2048x128xf32>
    %lt3A_713 = arith.cmpf olt, %add3A_712, %select_n3A_701 : vector<2048x128xf32>
    %select_n3A_714 = arith.select %lt3A_713, %add3A_712, %select_n3A_701 : vector<2048x128xi1>, vector<2048x128xf32>
    %jit3A_715 = arith.constant 6.272000e+03 : f32
    %broadcast_in_dim3A_716 = vector.broadcast %jit3A_715 : f32 to vector<2048x128xf32>
    %select_n3A_717 = arith.select %lt3A_713, %broadcast_in_dim3A_716, %select_n3A_704 : vector<2048x128xi1>, vector<2048x128xf32>
    %get3A_718 = arith.constant 0 : index
    %get3A_719 = arith.constant 6400 : index
    %get3A_720 = vector.load %arg3[%get3A_718, %get3A_719] : memref<1x8192xf32, #tpu.memory_space<vmem>>, vector<1x128xf32>
    %add3A_721 = vector.broadcast %broadcast_in_dim3A : vector<2048x1xf32> to vector<2048x128xf32>
    %add3A_722 = vector.broadcast %get3A_720 : vector<1x128xf32> to vector<2048x128xf32>
    %add3A_723 = arith.addf %add3A_721, %add3A_722 : vector<2048x128xf32>
    %slice3A_724 = vector.extract_strided_slice %dot_general3A_691 {offsets = [0, 256], sizes = [2048, 128], strides = [1, 1]} : vector<2048x512xf32> to vector<2048x128xf32>
    %add3A_725 = arith.addf %add3A_723, %slice3A_724 : vector<2048x128xf32>
    %lt3A_726 = arith.cmpf olt, %add3A_725, %select_n3A_714 : vector<2048x128xf32>
    %select_n3A_727 = arith.select %lt3A_726, %add3A_725, %select_n3A_714 : vector<2048x128xi1>, vector<2048x128xf32>
    %jit3A_728 = arith.constant 6.400000e+03 : f32
    %broadcast_in_dim3A_729 = vector.broadcast %jit3A_728 : f32 to vector<2048x128xf32>
    %select_n3A_730 = arith.select %lt3A_726, %broadcast_in_dim3A_729, %select_n3A_717 : vector<2048x128xi1>, vector<2048x128xf32>
    %get3A_731 = arith.constant 0 : index
    %get3A_732 = arith.constant 6528 : index
    %get3A_733 = vector.load %arg3[%get3A_731, %get3A_732] : memref<1x8192xf32, #tpu.memory_space<vmem>>, vector<1x128xf32>
    %add3A_734 = vector.broadcast %broadcast_in_dim3A : vector<2048x1xf32> to vector<2048x128xf32>
    %add3A_735 = vector.broadcast %get3A_733 : vector<1x128xf32> to vector<2048x128xf32>
    %add3A_736 = arith.addf %add3A_734, %add3A_735 : vector<2048x128xf32>
    %slice3A_737 = vector.extract_strided_slice %dot_general3A_691 {offsets = [0, 384], sizes = [2048, 128], strides = [1, 1]} : vector<2048x512xf32> to vector<2048x128xf32>
    %add3A_738 = arith.addf %add3A_736, %slice3A_737 : vector<2048x128xf32>
    %lt3A_739 = arith.cmpf olt, %add3A_738, %select_n3A_727 : vector<2048x128xf32>
    %select_n3A_740 = arith.select %lt3A_739, %add3A_738, %select_n3A_727 : vector<2048x128xi1>, vector<2048x128xf32>
    %jit3A_741 = arith.constant 6.528000e+03 : f32
    %broadcast_in_dim3A_742 = vector.broadcast %jit3A_741 : f32 to vector<2048x128xf32>
    %select_n3A_743 = arith.select %lt3A_739, %broadcast_in_dim3A_742, %select_n3A_730 : vector<2048x128xi1>, vector<2048x128xf32>
    %get3A_744 = arith.constant 6656 : index
    %get3A_745 = arith.constant 0 : index
    %get3A_746 = vector.load %arg6[%get3A_744, %get3A_745] : memref<8192x256xbf16, #tpu.memory_space<vmem>>, vector<512x256xbf16>
    %dot_general3A_747 = arith.constant dense<0.000000e+00> : vector<2048x512xf32>
    %dot_general3A_748 = tpu.matmul %get3A_3, %get3A_746, %dot_general3A_747 {dimension_numbers = #tpu.dot_dimension_numbers<[1], [1], [0], [0], [0, 0, 1, 0], [], []>, transpose_lhs_hint = false} : vector<2048x256xf32>, vector<512x256xbf16>, vector<2048x512xf32> -> vector<2048x512xf32>
    %get3A_749 = arith.constant 0 : index
    %get3A_750 = arith.constant 6656 : index
    %get3A_751 = vector.load %arg3[%get3A_749, %get3A_750] : memref<1x8192xf32, #tpu.memory_space<vmem>>, vector<1x128xf32>
    %add3A_752 = vector.broadcast %broadcast_in_dim3A : vector<2048x1xf32> to vector<2048x128xf32>
    %add3A_753 = vector.broadcast %get3A_751 : vector<1x128xf32> to vector<2048x128xf32>
    %add3A_754 = arith.addf %add3A_752, %add3A_753 : vector<2048x128xf32>
    %slice3A_755 = vector.extract_strided_slice %dot_general3A_748 {offsets = [0, 0], sizes = [2048, 128], strides = [1, 1]} : vector<2048x512xf32> to vector<2048x128xf32>
    %add3A_756 = arith.addf %add3A_754, %slice3A_755 : vector<2048x128xf32>
    %lt3A_757 = arith.cmpf olt, %add3A_756, %select_n3A_740 : vector<2048x128xf32>
    %select_n3A_758 = arith.select %lt3A_757, %add3A_756, %select_n3A_740 : vector<2048x128xi1>, vector<2048x128xf32>
    %jit3A_759 = arith.constant 6.656000e+03 : f32
    %broadcast_in_dim3A_760 = vector.broadcast %jit3A_759 : f32 to vector<2048x128xf32>
    %select_n3A_761 = arith.select %lt3A_757, %broadcast_in_dim3A_760, %select_n3A_743 : vector<2048x128xi1>, vector<2048x128xf32>
    %get3A_762 = arith.constant 0 : index
    %get3A_763 = arith.constant 6784 : index
    %get3A_764 = vector.load %arg3[%get3A_762, %get3A_763] : memref<1x8192xf32, #tpu.memory_space<vmem>>, vector<1x128xf32>
    %add3A_765 = vector.broadcast %broadcast_in_dim3A : vector<2048x1xf32> to vector<2048x128xf32>
    %add3A_766 = vector.broadcast %get3A_764 : vector<1x128xf32> to vector<2048x128xf32>
    %add3A_767 = arith.addf %add3A_765, %add3A_766 : vector<2048x128xf32>
    %slice3A_768 = vector.extract_strided_slice %dot_general3A_748 {offsets = [0, 128], sizes = [2048, 128], strides = [1, 1]} : vector<2048x512xf32> to vector<2048x128xf32>
    %add3A_769 = arith.addf %add3A_767, %slice3A_768 : vector<2048x128xf32>
    %lt3A_770 = arith.cmpf olt, %add3A_769, %select_n3A_758 : vector<2048x128xf32>
    %select_n3A_771 = arith.select %lt3A_770, %add3A_769, %select_n3A_758 : vector<2048x128xi1>, vector<2048x128xf32>
    %jit3A_772 = arith.constant 6.784000e+03 : f32
    %broadcast_in_dim3A_773 = vector.broadcast %jit3A_772 : f32 to vector<2048x128xf32>
    %select_n3A_774 = arith.select %lt3A_770, %broadcast_in_dim3A_773, %select_n3A_761 : vector<2048x128xi1>, vector<2048x128xf32>
    %get3A_775 = arith.constant 0 : index
    %get3A_776 = arith.constant 6912 : index
    %get3A_777 = vector.load %arg3[%get3A_775, %get3A_776] : memref<1x8192xf32, #tpu.memory_space<vmem>>, vector<1x128xf32>
    %add3A_778 = vector.broadcast %broadcast_in_dim3A : vector<2048x1xf32> to vector<2048x128xf32>
    %add3A_779 = vector.broadcast %get3A_777 : vector<1x128xf32> to vector<2048x128xf32>
    %add3A_780 = arith.addf %add3A_778, %add3A_779 : vector<2048x128xf32>
    %slice3A_781 = vector.extract_strided_slice %dot_general3A_748 {offsets = [0, 256], sizes = [2048, 128], strides = [1, 1]} : vector<2048x512xf32> to vector<2048x128xf32>
    %add3A_782 = arith.addf %add3A_780, %slice3A_781 : vector<2048x128xf32>
    %lt3A_783 = arith.cmpf olt, %add3A_782, %select_n3A_771 : vector<2048x128xf32>
    %select_n3A_784 = arith.select %lt3A_783, %add3A_782, %select_n3A_771 : vector<2048x128xi1>, vector<2048x128xf32>
    %jit3A_785 = arith.constant 6.912000e+03 : f32
    %broadcast_in_dim3A_786 = vector.broadcast %jit3A_785 : f32 to vector<2048x128xf32>
    %select_n3A_787 = arith.select %lt3A_783, %broadcast_in_dim3A_786, %select_n3A_774 : vector<2048x128xi1>, vector<2048x128xf32>
    %get3A_788 = arith.constant 0 : index
    %get3A_789 = arith.constant 7040 : index
    %get3A_790 = vector.load %arg3[%get3A_788, %get3A_789] : memref<1x8192xf32, #tpu.memory_space<vmem>>, vector<1x128xf32>
    %add3A_791 = vector.broadcast %broadcast_in_dim3A : vector<2048x1xf32> to vector<2048x128xf32>
    %add3A_792 = vector.broadcast %get3A_790 : vector<1x128xf32> to vector<2048x128xf32>
    %add3A_793 = arith.addf %add3A_791, %add3A_792 : vector<2048x128xf32>
    %slice3A_794 = vector.extract_strided_slice %dot_general3A_748 {offsets = [0, 384], sizes = [2048, 128], strides = [1, 1]} : vector<2048x512xf32> to vector<2048x128xf32>
    %add3A_795 = arith.addf %add3A_793, %slice3A_794 : vector<2048x128xf32>
    %lt3A_796 = arith.cmpf olt, %add3A_795, %select_n3A_784 : vector<2048x128xf32>
    %select_n3A_797 = arith.select %lt3A_796, %add3A_795, %select_n3A_784 : vector<2048x128xi1>, vector<2048x128xf32>
    %jit3A_798 = arith.constant 7.040000e+03 : f32
    %broadcast_in_dim3A_799 = vector.broadcast %jit3A_798 : f32 to vector<2048x128xf32>
    %select_n3A_800 = arith.select %lt3A_796, %broadcast_in_dim3A_799, %select_n3A_787 : vector<2048x128xi1>, vector<2048x128xf32>
    %get3A_801 = arith.constant 7168 : index
    %get3A_802 = arith.constant 0 : index
    %get3A_803 = vector.load %arg6[%get3A_801, %get3A_802] : memref<8192x256xbf16, #tpu.memory_space<vmem>>, vector<512x256xbf16>
    %dot_general3A_804 = arith.constant dense<0.000000e+00> : vector<2048x512xf32>
    %dot_general3A_805 = tpu.matmul %get3A_3, %get3A_803, %dot_general3A_804 {dimension_numbers = #tpu.dot_dimension_numbers<[1], [1], [0], [0], [0, 0, 1, 0], [], []>, transpose_lhs_hint = false} : vector<2048x256xf32>, vector<512x256xbf16>, vector<2048x512xf32> -> vector<2048x512xf32>
    %get3A_806 = arith.constant 0 : index
    %get3A_807 = arith.constant 7168 : index
    %get3A_808 = vector.load %arg3[%get3A_806, %get3A_807] : memref<1x8192xf32, #tpu.memory_space<vmem>>, vector<1x128xf32>
    %add3A_809 = vector.broadcast %broadcast_in_dim3A : vector<2048x1xf32> to vector<2048x128xf32>
    %add3A_810 = vector.broadcast %get3A_808 : vector<1x128xf32> to vector<2048x128xf32>
    %add3A_811 = arith.addf %add3A_809, %add3A_810 : vector<2048x128xf32>
    %slice3A_812 = vector.extract_strided_slice %dot_general3A_805 {offsets = [0, 0], sizes = [2048, 128], strides = [1, 1]} : vector<2048x512xf32> to vector<2048x128xf32>
    %add3A_813 = arith.addf %add3A_811, %slice3A_812 : vector<2048x128xf32>
    %lt3A_814 = arith.cmpf olt, %add3A_813, %select_n3A_797 : vector<2048x128xf32>
    %select_n3A_815 = arith.select %lt3A_814, %add3A_813, %select_n3A_797 : vector<2048x128xi1>, vector<2048x128xf32>
    %jit3A_816 = arith.constant 7.168000e+03 : f32
    %broadcast_in_dim3A_817 = vector.broadcast %jit3A_816 : f32 to vector<2048x128xf32>
    %select_n3A_818 = arith.select %lt3A_814, %broadcast_in_dim3A_817, %select_n3A_800 : vector<2048x128xi1>, vector<2048x128xf32>
    %get3A_819 = arith.constant 0 : index
    %get3A_820 = arith.constant 7296 : index
    %get3A_821 = vector.load %arg3[%get3A_819, %get3A_820] : memref<1x8192xf32, #tpu.memory_space<vmem>>, vector<1x128xf32>
    %add3A_822 = vector.broadcast %broadcast_in_dim3A : vector<2048x1xf32> to vector<2048x128xf32>
    %add3A_823 = vector.broadcast %get3A_821 : vector<1x128xf32> to vector<2048x128xf32>
    %add3A_824 = arith.addf %add3A_822, %add3A_823 : vector<2048x128xf32>
    %slice3A_825 = vector.extract_strided_slice %dot_general3A_805 {offsets = [0, 128], sizes = [2048, 128], strides = [1, 1]} : vector<2048x512xf32> to vector<2048x128xf32>
    %add3A_826 = arith.addf %add3A_824, %slice3A_825 : vector<2048x128xf32>
    %lt3A_827 = arith.cmpf olt, %add3A_826, %select_n3A_815 : vector<2048x128xf32>
    %select_n3A_828 = arith.select %lt3A_827, %add3A_826, %select_n3A_815 : vector<2048x128xi1>, vector<2048x128xf32>
    %jit3A_829 = arith.constant 7.296000e+03 : f32
    %broadcast_in_dim3A_830 = vector.broadcast %jit3A_829 : f32 to vector<2048x128xf32>
    %select_n3A_831 = arith.select %lt3A_827, %broadcast_in_dim3A_830, %select_n3A_818 : vector<2048x128xi1>, vector<2048x128xf32>
    %get3A_832 = arith.constant 0 : index
    %get3A_833 = arith.constant 7424 : index
    %get3A_834 = vector.load %arg3[%get3A_832, %get3A_833] : memref<1x8192xf32, #tpu.memory_space<vmem>>, vector<1x128xf32>
    %add3A_835 = vector.broadcast %broadcast_in_dim3A : vector<2048x1xf32> to vector<2048x128xf32>
    %add3A_836 = vector.broadcast %get3A_834 : vector<1x128xf32> to vector<2048x128xf32>
    %add3A_837 = arith.addf %add3A_835, %add3A_836 : vector<2048x128xf32>
    %slice3A_838 = vector.extract_strided_slice %dot_general3A_805 {offsets = [0, 256], sizes = [2048, 128], strides = [1, 1]} : vector<2048x512xf32> to vector<2048x128xf32>
    %add3A_839 = arith.addf %add3A_837, %slice3A_838 : vector<2048x128xf32>
    %lt3A_840 = arith.cmpf olt, %add3A_839, %select_n3A_828 : vector<2048x128xf32>
    %select_n3A_841 = arith.select %lt3A_840, %add3A_839, %select_n3A_828 : vector<2048x128xi1>, vector<2048x128xf32>
    %jit3A_842 = arith.constant 7.424000e+03 : f32
    %broadcast_in_dim3A_843 = vector.broadcast %jit3A_842 : f32 to vector<2048x128xf32>
    %select_n3A_844 = arith.select %lt3A_840, %broadcast_in_dim3A_843, %select_n3A_831 : vector<2048x128xi1>, vector<2048x128xf32>
    %get3A_845 = arith.constant 0 : index
    %get3A_846 = arith.constant 7552 : index
    %get3A_847 = vector.load %arg3[%get3A_845, %get3A_846] : memref<1x8192xf32, #tpu.memory_space<vmem>>, vector<1x128xf32>
    %add3A_848 = vector.broadcast %broadcast_in_dim3A : vector<2048x1xf32> to vector<2048x128xf32>
    %add3A_849 = vector.broadcast %get3A_847 : vector<1x128xf32> to vector<2048x128xf32>
    %add3A_850 = arith.addf %add3A_848, %add3A_849 : vector<2048x128xf32>
    %slice3A_851 = vector.extract_strided_slice %dot_general3A_805 {offsets = [0, 384], sizes = [2048, 128], strides = [1, 1]} : vector<2048x512xf32> to vector<2048x128xf32>
    %add3A_852 = arith.addf %add3A_850, %slice3A_851 : vector<2048x128xf32>
    %lt3A_853 = arith.cmpf olt, %add3A_852, %select_n3A_841 : vector<2048x128xf32>
    %select_n3A_854 = arith.select %lt3A_853, %add3A_852, %select_n3A_841 : vector<2048x128xi1>, vector<2048x128xf32>
    %jit3A_855 = arith.constant 7.552000e+03 : f32
    %broadcast_in_dim3A_856 = vector.broadcast %jit3A_855 : f32 to vector<2048x128xf32>
    %select_n3A_857 = arith.select %lt3A_853, %broadcast_in_dim3A_856, %select_n3A_844 : vector<2048x128xi1>, vector<2048x128xf32>
    %get3A_858 = arith.constant 7680 : index
    %get3A_859 = arith.constant 0 : index
    %get3A_860 = vector.load %arg6[%get3A_858, %get3A_859] : memref<8192x256xbf16, #tpu.memory_space<vmem>>, vector<512x256xbf16>
    %dot_general3A_861 = arith.constant dense<0.000000e+00> : vector<2048x512xf32>
    %dot_general3A_862 = tpu.matmul %get3A_3, %get3A_860, %dot_general3A_861 {dimension_numbers = #tpu.dot_dimension_numbers<[1], [1], [0], [0], [0, 0, 1, 0], [], []>, transpose_lhs_hint = false} : vector<2048x256xf32>, vector<512x256xbf16>, vector<2048x512xf32> -> vector<2048x512xf32>
    %get3A_863 = arith.constant 0 : index
    %get3A_864 = arith.constant 7680 : index
    %get3A_865 = vector.load %arg3[%get3A_863, %get3A_864] : memref<1x8192xf32, #tpu.memory_space<vmem>>, vector<1x128xf32>
    %add3A_866 = vector.broadcast %broadcast_in_dim3A : vector<2048x1xf32> to vector<2048x128xf32>
    %add3A_867 = vector.broadcast %get3A_865 : vector<1x128xf32> to vector<2048x128xf32>
    %add3A_868 = arith.addf %add3A_866, %add3A_867 : vector<2048x128xf32>
    %slice3A_869 = vector.extract_strided_slice %dot_general3A_862 {offsets = [0, 0], sizes = [2048, 128], strides = [1, 1]} : vector<2048x512xf32> to vector<2048x128xf32>
    %add3A_870 = arith.addf %add3A_868, %slice3A_869 : vector<2048x128xf32>
    %lt3A_871 = arith.cmpf olt, %add3A_870, %select_n3A_854 : vector<2048x128xf32>
    %select_n3A_872 = arith.select %lt3A_871, %add3A_870, %select_n3A_854 : vector<2048x128xi1>, vector<2048x128xf32>
    %jit3A_873 = arith.constant 7.680000e+03 : f32
    %broadcast_in_dim3A_874 = vector.broadcast %jit3A_873 : f32 to vector<2048x128xf32>
    %select_n3A_875 = arith.select %lt3A_871, %broadcast_in_dim3A_874, %select_n3A_857 : vector<2048x128xi1>, vector<2048x128xf32>
    %get3A_876 = arith.constant 0 : index
    %get3A_877 = arith.constant 7808 : index
    %get3A_878 = vector.load %arg3[%get3A_876, %get3A_877] : memref<1x8192xf32, #tpu.memory_space<vmem>>, vector<1x128xf32>
    %add3A_879 = vector.broadcast %broadcast_in_dim3A : vector<2048x1xf32> to vector<2048x128xf32>
    %add3A_880 = vector.broadcast %get3A_878 : vector<1x128xf32> to vector<2048x128xf32>
    %add3A_881 = arith.addf %add3A_879, %add3A_880 : vector<2048x128xf32>
    %slice3A_882 = vector.extract_strided_slice %dot_general3A_862 {offsets = [0, 128], sizes = [2048, 128], strides = [1, 1]} : vector<2048x512xf32> to vector<2048x128xf32>
    %add3A_883 = arith.addf %add3A_881, %slice3A_882 : vector<2048x128xf32>
    %lt3A_884 = arith.cmpf olt, %add3A_883, %select_n3A_872 : vector<2048x128xf32>
    %select_n3A_885 = arith.select %lt3A_884, %add3A_883, %select_n3A_872 : vector<2048x128xi1>, vector<2048x128xf32>
    %jit3A_886 = arith.constant 7.808000e+03 : f32
    %broadcast_in_dim3A_887 = vector.broadcast %jit3A_886 : f32 to vector<2048x128xf32>
    %select_n3A_888 = arith.select %lt3A_884, %broadcast_in_dim3A_887, %select_n3A_875 : vector<2048x128xi1>, vector<2048x128xf32>
    %get3A_889 = arith.constant 0 : index
    %get3A_890 = arith.constant 7936 : index
    %get3A_891 = vector.load %arg3[%get3A_889, %get3A_890] : memref<1x8192xf32, #tpu.memory_space<vmem>>, vector<1x128xf32>
    %add3A_892 = vector.broadcast %broadcast_in_dim3A : vector<2048x1xf32> to vector<2048x128xf32>
    %add3A_893 = vector.broadcast %get3A_891 : vector<1x128xf32> to vector<2048x128xf32>
    %add3A_894 = arith.addf %add3A_892, %add3A_893 : vector<2048x128xf32>
    %slice3A_895 = vector.extract_strided_slice %dot_general3A_862 {offsets = [0, 256], sizes = [2048, 128], strides = [1, 1]} : vector<2048x512xf32> to vector<2048x128xf32>
    %add3A_896 = arith.addf %add3A_894, %slice3A_895 : vector<2048x128xf32>
    %lt3A_897 = arith.cmpf olt, %add3A_896, %select_n3A_885 : vector<2048x128xf32>
    %select_n3A_898 = arith.select %lt3A_897, %add3A_896, %select_n3A_885 : vector<2048x128xi1>, vector<2048x128xf32>
    %jit3A_899 = arith.constant 7.936000e+03 : f32
    %broadcast_in_dim3A_900 = vector.broadcast %jit3A_899 : f32 to vector<2048x128xf32>
    %select_n3A_901 = arith.select %lt3A_897, %broadcast_in_dim3A_900, %select_n3A_888 : vector<2048x128xi1>, vector<2048x128xf32>
    %get3A_902 = arith.constant 0 : index
    %get3A_903 = arith.constant 8064 : index
    %get3A_904 = vector.load %arg3[%get3A_902, %get3A_903] : memref<1x8192xf32, #tpu.memory_space<vmem>>, vector<1x128xf32>
    %add3A_905 = vector.broadcast %broadcast_in_dim3A : vector<2048x1xf32> to vector<2048x128xf32>
    %add3A_906 = vector.broadcast %get3A_904 : vector<1x128xf32> to vector<2048x128xf32>
    %add3A_907 = arith.addf %add3A_905, %add3A_906 : vector<2048x128xf32>
    %slice3A_908 = vector.extract_strided_slice %dot_general3A_862 {offsets = [0, 384], sizes = [2048, 128], strides = [1, 1]} : vector<2048x512xf32> to vector<2048x128xf32>
    %add3A_909 = arith.addf %add3A_907, %slice3A_908 : vector<2048x128xf32>
    %lt3A_910 = arith.cmpf olt, %add3A_909, %select_n3A_898 : vector<2048x128xf32>
    %select_n3A_911 = arith.select %lt3A_910, %add3A_909, %select_n3A_898 : vector<2048x128xi1>, vector<2048x128xf32>
    %jit3A_912 = arith.constant 8.064000e+03 : f32
    %broadcast_in_dim3A_913 = vector.broadcast %jit3A_912 : f32 to vector<2048x128xf32>
    %select_n3A_914 = arith.select %lt3A_910, %broadcast_in_dim3A_913, %select_n3A_901 : vector<2048x128xi1>, vector<2048x128xf32>
    %reduce_min3A = arith.constant dense<0x7F800000> : vector<2048xf32>
    %reduce_min3A_915 = vector.multi_reduction <minimumf>, %select_n3A_911, %reduce_min3A [1] : vector<2048x128xf32> to vector<2048xf32>
    %broadcast_in_dim3A_916 = vector.shape_cast %reduce_min3A_915 : vector<2048xf32> to vector<2048x1xf32>
    %iota3A = tpu.iota {dimensions = array<i32: 1>} : vector<2048x128xi32>
    %convert_element_type3A_917 = arith.sitofp %iota3A : vector<2048x128xi32> to vector<2048x128xf32>
    %add3A_918 = arith.addf %select_n3A_914, %convert_element_type3A_917 : vector<2048x128xf32>
    %eq3A_919 = vector.broadcast %broadcast_in_dim3A_916 : vector<2048x1xf32> to vector<2048x128xf32>
    %eq3A_920 = arith.cmpf oeq, %select_n3A_911, %eq3A_919 : vector<2048x128xf32>
    %jit3A_921 = arith.constant 1.638400e+04 : f32
    %broadcast_in_dim3A_922 = vector.broadcast %jit3A_921 : f32 to vector<2048x128xf32>
    %select_n3A_923 = arith.select %eq3A_920, %add3A_918, %broadcast_in_dim3A_922 : vector<2048x128xi1>, vector<2048x128xf32>
    %reduce_min3A_924 = arith.constant dense<0x7F800000> : vector<2048xf32>
    %reduce_min3A_925 = vector.multi_reduction <minimumf>, %select_n3A_923, %reduce_min3A_924 [1] : vector<2048x128xf32> to vector<2048xf32>
    %broadcast_in_dim3A_926 = vector.shape_cast %reduce_min3A_925 : vector<2048xf32> to vector<2048x1xf32>
    %convert_element_type3A_927 = arith.fptosi %broadcast_in_dim3A_926 : vector<2048x1xf32> to vector<2048x1xi32>
    %swap3A = arith.constant 0 : index
    %swap3A_928 = arith.constant 0 : index
    %swap3A_929 = vector.load %arg4[%swap3A, %swap3A_928] : memref<2048x1xi32, #tpu.memory_space<vmem>>, vector<2048x1xi32>
    tpu.vector_store %arg4[%swap3A, %swap3A_928], %convert_element_type3A_927 {strides = array<i32>} : memref<2048x1xi32, #tpu.memory_space<vmem>>, vector<2048x1xi32>,
    %swap3A_930 = arith.constant 0 : index
    %swap3A_931 = arith.constant 0 : index
    %swap3A_932 = vector.load %arg5[%swap3A_930, %swap3A_931] : memref<2048x1xf32, #tpu.memory_space<vmem>>, vector<2048x1xf32>
    tpu.vector_store %arg5[%swap3A_930, %swap3A_931], %broadcast_in_dim3A_916 {strides = array<i32>} : memref<2048x1xf32, #tpu.memory_space<vmem>>, vector<2048x1xf32>,
    return
  }
  func.func @transform_0(%arg0: i32) -> (i32, i32) {
    %c0_i32 = arith.constant 0 : i32
    %c0_i32_0 = arith.constant 0 : i32
    return %arg0, %c0_i32 : i32, i32
  }
  func.func @transform_1(%arg0: i32) -> (i32, i32) {
    %c0_i32 = arith.constant 0 : i32
    %c0_i32_0 = arith.constant 0 : i32
    %c0_i32_1 = arith.constant 0 : i32
    return %c0_i32, %c0_i32_0 : i32, i32
  }
  func.func @transform_2(%arg0: i32) -> (i32, i32) {
    %c0_i32 = arith.constant 0 : i32
    %c0_i32_0 = arith.constant 0 : i32
    %c0_i32_1 = arith.constant 0 : i32
    return %c0_i32, %c0_i32_0 : i32, i32
  }
  func.func @transform_3(%arg0: i32) -> (i32, i32) {
    %c0_i32 = arith.constant 0 : i32
    %c0_i32_0 = arith.constant 0 : i32
    return %arg0, %c0_i32 : i32, i32
  }
  func.func @transform_4(%arg0: i32) -> (i32, i32) {
    %c0_i32 = arith.constant 0 : i32
    %c0_i32_0 = arith.constant 0 : i32
    return %arg0, %c0_i32 : i32, i32
  }
}

</mosaic_0001>

<sc_bundles>
// kernel: kernel.4.cloned.1.call-start
scs
__scs_entry_jumppad:
0x0: {  	(pc) =	sbr.rel $0x88, $3  }
0x1: {  	(tag) =	ssettag $0x0;
	lr =	simm.s32 $0x1  }
0x2: {  	[smem:$0x3F9F] =	sst lr;
	_ =	strace $0xD0000000  }
0x3: {  	_ = 	snop  }
0x4: {  	_ = 	snop  }
0x5: {  	_ = 	snop  }
0x6: {  	_ = 	snop  }
0x7: {  	_ = 	snop  }
__scs_overlays_trampoline_lowered:
0x8: {  	[smem:$0x3FAE] =	sst s0  }
0x9: {  	[smem:$0x3FAF] =	sst s1  }
0xa: {  	[smem:$0x3FB0] =	sst s2  }
0xb: {  	[smem:$0x3FB1] =	sst s3  }
0xc: {  	[smem:$0x3FB2] =	sst s4  }
0xd: {  	[smem:$0x3FB3] =	sst s5  }
0xe: {  	[smem:$0x3FB4] =	sst s6  }
0xf: {  	[smem:$0x3FB5] =	sst s7  }
0x10: {  	[smem:$0x3FB6] =	sst s8  }
0x11: {  	[smem:$0x3FB7] =	sst s9;
	s0 =	simm.s32 @!p0 $0x0  }
0x12: {  	s1 =	sld [smem:$0x3F9D];
	s0 =	simm.s32 @p0 $0x1  }
0x13: {  	[smem:$0x3FB8] =	sst s0;
	s0 =	simm.s32 @!p1 $0x0  }
0x14: {  	s2 =	sld [smem:$0x3F9C];
	s0 =	simm.s32 @p1 $0x1  }
0x15: {  	[smem:$0x3FB9] =	sst s0;
	s0 =	simm.s32 @!p2 $0x0  }
0x16: {  	s3 =	sld [smem:$0x3FDB];
	s0 =	simm.s32 @p2 $0x1  }
0x17: {  	s4 =	simm.s32 $0x1BF5;
	[smem:$0x3FBB] =	sst s0  }
0x18: {  	s0 =	sld [smem:$0x3F9E];
	_ =	swait.ge [sflag:s4], $0x0  }
0x19: {  	s7 =	sld [smem:$0x3F9F]  }
0x1a: {  	s8 =	sadd.s32 $0xFFFFE003, lr  }
0x1b: {  	s9 =	sadd.s32 $0xFFFFFEF7, lr;
	s5 =	simm.s32 $0xFFFFFFFF;
	p2 =	slt.u32 s8, $0xFFFFF086  }
0x1c: {  	p1 =	slt.u32 s9, $0xF7A;
	s5 =	simm.s32 @!p2 $0x0  }
0x1d: {  	s5 =	simm.s32 @p1 $0x1;
	p0 =	seq.s32 s7, s2  }
0x1e: {  	s7 =	smul.u32 @!p0 $0xF7A, s2;
	p2 =	seq.s32 @!p0 s5, $0x0  }
0x1f: {  	s9 =	smul.u32 $0xF7A, s1;
	s8 =	simm.s32 @!p0 $0x1BF5;
	p2 =	por !p2, p0  }
0x20: {  	[sflag:s8] =	ssyncset.s32 @!p0 $0xFFFFF086;
	s6 =	sadd.s32 @!p0 s3, s7;
	s7 =	simm.s32 @!p0 $0x108  }
0x21: {  	s3 =	sadd.s32 s3, s9;
	s6 =	sadd.s32 @!p0 $0x88, s6;
	s7 =	simm.s32 @p2 $0x1082  }
0x22: {  	[simem:s7], [sflag:s8] =	dma.local @!p0 [hbm:s6], $0xF7A  }
0x23: {  	s9 =	sor.u32 $0xD0000000, s2;
	s6 =	simm.s32 $0x108;
	_ =	swait.ge @!p0 [sflag:s8], $0x0  }
0x24: {  	s3 =	sadd.s32 $0x88, s3;
	s6 =	simm.s32 @!p1 $0x1082;
	[sflag:s4] =	ssyncset.s32 $0xFFFFF086  }
0x25: {  	[simem:s6], [sflag:s4] =	dma.local [hbm:s3], $0xF7A  }
0x26: {  	[smem:$0x3F9F] =	sst s1;
	(tag) =	ssettag s2;
	_ =	strace s9  }
0x27: {  	s1 =	sld [smem:$0x3FAF]  }
0x28: {  	s2 =	sld [smem:$0x3FB0]  }
0x29: {  	s4 =	sld [smem:$0x3FB2]  }
0x2a: {  	p0 =	seq.s32 s5, $0x0;
	s5 =	sld [smem:$0x3FB3]  }
0x2b: {  	s6 =	sld [smem:$0x3FB4]  }
0x2c: {  	s7 =	sld [smem:$0x3FB5]  }
0x2d: {  	s3 =	simm.s32 $0x108;
	s8 =	sld [smem:$0x3FB6]  }
0x2e: {  	s3 =	simm.s32 @!p0 $0x1082;
	s9 =	sld [smem:$0x3FB7]  }
0x2f: {  	lr =	sadd.s32 s0, s3;
	s0 =	sld [smem:$0x3FAE]  }
0x30: {  	s3 =	sld [smem:$0x3FB1]  }
0x31: {  	[smem:$0x3FBA] =	sst s10  }
0x32: {  	s10 =	sld [smem:$0x3FB8];
	_ =	sdelay $0x3  }
0x33: {  	p0 =	seq.s32 s10, $0x1;
	s10 =	sld [smem:$0x3FBA];
	_ =	sdelay $0x3  }
0x34: {  	[smem:$0x3FBA] =	sst s10  }
0x35: {  	s10 =	sld [smem:$0x3FB9];
	_ =	sdelay $0x3  }
0x36: {  	p1 =	seq.s32 s10, $0x1;
	s10 =	sld [smem:$0x3FBA];
	_ =	sdelay $0x3  }
0x37: {  	[smem:$0x3FBA] =	sst s10  }
0x38: {  	s10 =	sld [smem:$0x3FBB]  }
0x39: {  	_ = 	snop;
	(pc) =	sbr.ind lr, $3  }
0x3a: {  	_ = 	snop  }
0x3b: {  	_ = 	snop  }
0x3c: {  	p2 =	seq.s32 s10, $0x1;
	s10 =	sld [smem:$0x3FBA]  }
0x3d: {  	_ =	shalt  }
0x3e: {  	_ =	shalt  }
0x3f: {  	_ =	shalt  }
0x40: {  	_ =	shalt  }
0x41: {  	_ =	shalt  }
0x42: {  	_ =	shalt  }
0x43: {  	_ =	shalt  }
0x44: {  	_ =	shalt  }
0x45: {  	_ =	shalt  }
0x46: {  	_ =	shalt  }
0x47: {  	_ =	shalt  }
0x48: {  	_ =	shalt  }
0x49: {  	_ =	shalt  }
0x4a: {  	_ =	shalt  }
0x4b: {  	_ =	shalt  }
0x4c: {  	_ =	shalt  }
0x4d: {  	_ =	shalt  }
0x4e: {  	_ =	shalt  }
0x4f: {  	_ =	shalt  }
0x50: {  	_ =	shalt  }
0x51: {  	_ =	shalt  }
0x52: {  	_ =	shalt  }
0x53: {  	_ =	shalt  }
0x54: {  	_ =	shalt  }
0x55: {  	_ =	shalt  }
0x56: {  	_ =	shalt  }
0x57: {  	_ =	shalt  }
0x58: {  	_ =	shalt  }
0x59: {  	_ =	shalt  }
0x5a: {  	_ =	shalt  }
0x5b: {  	_ =	shalt  }
0x5c: {  	_ =	shalt  }
0x5d: {  	_ =	shalt  }
0x5e: {  	_ =	shalt  }
0x5f: {  	_ =	shalt  }
0x60: {  	_ =	shalt  }
0x61: {  	_ =	shalt  }
0x62: {  	_ =	shalt  }
0x63: {  	_ =	shalt  }
0x64: {  	_ =	shalt  }
0x65: {  	_ =	shalt  }
0x66: {  	_ =	shalt  }
0x67: {  	_ =	shalt  }
0x68: {  	_ =	shalt  }
0x69: {  	_ =	shalt  }
0x6a: {  	_ =	shalt  }
0x6b: {  	_ =	shalt  }
0x6c: {  	_ =	shalt  }
0x6d: {  	_ =	shalt  }
0x6e: {  	_ =	shalt  }
0x6f: {  	_ =	shalt  }
0x70: {  	_ =	shalt  }
0x71: {  	_ =	shalt  }
0x72: {  	_ =	shalt  }
0x73: {  	_ =	shalt  }
0x74: {  	_ =	shalt  }
0x75: {  	_ =	shalt  }
0x76: {  	_ =	shalt  }
0x77: {  	_ =	shalt  }
0x78: {  	_ =	shalt  }
0x79: {  	_ =	shalt  }
0x7a: {  	_ =	shalt  }
0x7b: {  	_ =	shalt  }
0x7c: {  	_ =	shalt  }
0x7d: {  	_ =	shalt  }
0x7e: {  	_ =	shalt  }
0x7f: {  	_ =	shalt  }
0x80: {  	_ =	shalt  }
0x81: {  	_ =	shalt  }
0x82: {  	_ =	shalt  }
0x83: {  	_ =	shalt  }
0x84: {  	_ =	shalt  }
0x85: {  	_ =	shalt  }
0x86: {  	_ =	shalt  }
0x87: {  	_ =	shalt  }
.Lfunc_end0:
.L_simem_size_0:
called_computation_lowered:
.L_overlay_start_0:
0x88: {  	s2 =	sld [smem:$0x3FD9]  }
0x89: {  	s3 =	sld [smem:$0x3FFE];
	_ =	sdelay $0x1  }
0x8a: {  	s1 =	srdreg.scid  }
0x8b: {  	s0 =	sand.u32 $0x1, s1  }
0x8c: {  	s15 =	sshll.u32 s0, $0xA;
	s2 =	sadd.s32 s3, s2  }
0x8d: {  	s2 =	sadd.s32 s2, s15  }
0x8e: {  	[smem:$0x3FC6] =	sst s2  }
0x8f: {  	_ = 	snop  }
0x90: {  	s2 =	sld [smem:$0x3FD0];
	_ =	sdelay $0x2  }
0x91: {  	s4 =	simm.s32 $0xA;
	s5 =	simm.s32 $0x10;
	s16 =	sld [smem:$0x3FC8]  }
0x92: {  	[smem:s5], [sflag:s4] =	dma.local [hbm:s2], $0x1  }
0x93: {  	_ =	swait.eq [sflag:s4], $0x1  }
0x94: {  	[sflag:s4] =	ssyncset.done $0x0  }
0x95: {  	s17 =	sld [smem:$0x10];
	[sflag:s4] =	ssyncadd.s32 $0xFFFFFFFF  }
0x96: {  	s18 =	sld [smem:$0x12];
	(tm) =	ssettm $0x1  }
0x97: {  	s19 =	sld [smem:$0x3FFB];
	_ =	sdelay $0x3  }
0x98: {  	_ =	strace s19  }
0x99: {  	s5 =	sld [smem:$0x3FFC];
	_ =	sdelay $0x3  }
0x9a: {  	_ =	strace s5  }
0x9b: {  	s5 =	sld [smem:$0x3FFD];
	_ =	sdelay $0x3  }
0x9c: {  	_ =	strace s5  }
0x9d: {  	_ =	strace $0x8FFFFFFF  }
0x9e: {  	s20 =	sld [smem:$0x3FDB];
	_ =	sdelay $0x1  }
0x9f: {  	s6 =	simm.s32 $_scs_section_size  }
0xa0: {  	s7 =	simm.s32 $_size__tile_overlayer_lowered;
	s8 =	simm.s32 $_tile_overlayer_lowered  }
0xa1: {  	s23 =	simm.s32 $0x1BFF;
	s22 =	sshll.u32 s8, $0x1;
	s5 =	sadd.s32 s6, s20  }
0xa2: {  	s9 =	simm.s32 $0x0;
	s21 =	sshll.u32 s7, $0x1;
	s7 =	sadd.s32 s22, s5  }
0xa3: {  	[timem:s9], [sflag:s23] =	dma.local [hbm:s7], s21  }
0xa4: {  	_ =	swait.ge [sflag:s23], s21  }
0xa5: {  	s6 =	ssub.s32 $0x0, s21;
	[sflag:s23] =	ssyncset.done $0x0  }
0xa6: {  	[sflag:s23] =	ssyncadd.s32 s6;
	_ =	sdelay $0x1  }
0xa7: {  	s24 =	simm.s32 $0x1B8B  }
0xa8: {  	_ =	swait.ge [sflag:s24], $0x1  }
0xa9: {  	[sflag:s24] =	ssyncset.done $0x0  }
0xaa: {  	s25 =	simm.s32 $0x1B8E;
	[sflag:s24] =	ssyncadd.s32 $0xFFFFFFFF  }
0xab: {  	s26 =	simm.s32 $execute0_lowered;
	[smem:$0x3FD2] =	sst s25  }
0xac: {  	s6 =	sshll.u32 s26, $0x1;
	_ =	strace $0x80000046;
	[dreg:$0x1] =	wrdreg $0xFFFFFFFF  }
0xad: {  	s28 =	simm.s32 $_size_execute0_lowered;
	s5 =	sadd.s32 s5, s6;
	[dreg:$0x0] =	wrdreg $0x0  }
0xae: {  	s6 =	sshll.u32 s28, $0x1;
	[dreg:$0x2] =	wrdreg s5  }
0xaf: {  	[dreg:$0x3] =	wrdreg s6  }
0xb0: {  	[dreg:$0x4] =	wrdreg $0xC0  }
0xb1: {  	_ =	task [dreg:s9], $0x5FFFF  }
0xb2: {  	[dreg:$0x1] =	wrdreg $0xFFFFFFFF  }
0xb3: {  	[dreg:$0x0] =	wrdreg $0x60  }
0xb4: {  	[dreg:$0x2] =	wrdreg s16  }
0xb5: {  	[dreg:$0x3] =	wrdreg s18  }
0xb6: {  	[dreg:$0x4] =	wrdreg s17  }
0xb7: {  	[dreg:$0x5] =	wrdreg $0x9  }
0xb8: {  	_ =	task.clear_ibuf [dreg:s9], $0x6FFFF;
	_ =	strace $0x90000046  }
0xb9: {  	s29 =	simm.s32 $0x9;
	_ =	strace $0x80000048  }
0xba: {  	_ =	swait.ge [sflag:s29], $0x1  }
0xbb: {  	[sflag:s29] =	ssyncadd.s32 $0xFFFFFFFF  }
0xbc: {  	_ =	strace $0x90000048  }
0xbd: {  	_ =	sfence  }
0xbe: {  	s30 =	sld [smem:$0x0];
	_ =	sdelay $0x2  }
0xbf: {  	s31 =	sshll.u32 s1, $0xD;
	s1 =	sshrl.u32 s1, $0x2  }
0xc0: {  	s3 =	sand.u32 $0x4000, s31;
	s1 =	sadd.s32 s1, s30  }
0xc1: {  	s0 =	sor.u32 s3, s0;
	s1 =	sshll.u32 s1, $0x11  }
0xc2: {  	s0 =	sor.u32 s1, s0  }
0xc3: {  	s0 =	sadd.s32 $0x8F2B, s0  }
0xc4: {  	[sflag:s0] =	ssyncadd.remote.s32 $0x1  }
0xc5: {  	_ =	sfence.sel $0xFFFF  }
0xc6: {  	[dreg:$0x0] =	wrdreg $0xFFFFFFFF;
	(pc) =	sbr.abs _section_cstart, $3  }
0xc7: {  	[dreg:$0x1] =	wrdreg $0xFFFFFFFF  }
0xc8: {  	_ =	task.clear_ibuf [dreg:s9], $0x2FFFF;
	_ =	strace $0x9FFFFFFF  }
0xc9: {  	(tm) =	ssettm $0x7FFFFFFF  }
tec
execute0_lowered:
.L_overlay_start_1:
0x0: {  	(tag) =	ssettag $0x1  }
0x1: {  	s1 =	rddreg [dreg:$0x0]  }
0x2: {  	s2 =	srdreg.scid;
	s4 =	rddreg [dreg:$0x1]  }
0x3: {  	s0 =	stileid.u32;
	s5 =	rddreg [dreg:$0x2];
	s3 =	simm.s32 $0x0  }
0x4: {  	s17 =	simm.s32 $0x900;
	s18 =	simm.s32 $0x1100;
	s19 =	simm.s32 $0x1900  }
0x5: {  	s20 =	simm.s32 $0x2100;
	s21 =	simm.s32 $0x2900;
	s22 =	simm.s32 $0x3100  }
0x6: {  	s24 =	simm.s32 $0x3900;
	s25 =	simm.s32 $0x4100;
	[smem:$0x7FF] =	sst s3  }
0x7: {  	s26 =	simm.s32 $0x4900;
	_ =	strace $0x80000047;
	[dreg:$0x6] =	wrdreg s17  }
0x8: {  	s9 =	simm.s32 $0x5900;
	s10 =	simm.s32 $0x6100;
	[dreg:$0x7] =	wrdreg s18  }
0x9: {  	s11 =	simm.s32 $0x6900;
	s12 =	simm.s32 $0x7100;
	[dreg:$0x8] =	wrdreg s19  }
0xa: {  	s13 =	simm.s32 $0x7900;
	s14 =	simm.s32 $0x8100;
	[dreg:$0x9] =	wrdreg s20  }
0xb: {  	s15 =	simm.s32 $0x8900;
	s16 =	simm.s32 $0x9100;
	[dreg:$0xa] =	wrdreg s21  }
0xc: {  	s28 =	simm.s32 $0xE900;
	s29 =	simm.s32 $0xF100;
	[dreg:$0xb] =	wrdreg s22  }
0xd: {  	s30 =	simm.s32 $0xF900;
	s31 =	simm.s32 $0x1;
	[dreg:$0xc] =	wrdreg s24  }
0xe: {  	s2 =	sand.u32 $0x1, s2;
	s6 =	sshll.u32 s0, $0x9;
	[dreg:$0xd] =	wrdreg s25  }
0xf: {  	s7 =	sshll.u32 s2, $0x8;
	s2 =	ssub.s32 $0x2, s2;
	[dreg:$0xe] =	wrdreg s26  }
0x10: {  	s17 =	simm.s32 $0x9900;
	s18 =	simm.s32 $0xA100;
	s19 =	simm.s32 $0xA900  }
0x11: {  	s20 =	simm.s32 $0xB100;
	s21 =	simm.s32 $0xB900;
	s22 =	simm.s32 $0xC100  }
0x12: {  	s24 =	simm.s32 $0xD100;
	s25 =	simm.s32 $0xD900;
	s6 =	sor.u32 s7, s6  }
0x13: {  	s26 =	simm.s32 $0xE100;
	s23 =	sshrl.u32 s2, $0x1;
	s7 =	sshrl.u32 s6, $0x3  }
0x14: {  	s6 =	sshll.u32 s6, $0x5;
	s2 =	ssub.s32 s2, s23;
	s23 =	simm.s32 $0xC900  }
0x15: {  	v2 =	vlaneseq.u32;
	s7 =	sadd.s32 s4, s7;
	s4 =	sadd.s32 s5, s6;
	s6 =	simm.s32 $0x3  }
0x16: {  	vm0 =	vmmov $0xffff;
	v1 =	vshrl.u32 v2, $0x3;
	[dreg:$0x4] =	wrdreg s7;
	s5 =	sadd.s32 $0x1000, s4;
	s7 =	simm.s32 $0x100  }
0x17: {  	v0 =	vand.u32 $0x7, v2;
	v2 =	vor.u32 $0x8, v2;
	v1 =	vmul.u32 $0x8, v1;
	[dreg:$0x5] =	wrdreg s5;
	s5 =	smax.u32 s2, $0x1;
	s2 =	simm.s32 $0x2  }
.LBB2_1:
0x18: {  	s0 =	rddreg [dreg:$0x4]  }
0x19: {  	[tilespmem:s3], [sflag:$0x3] =	stream.linear.gather [hbm4b:s0+s3], $0x100, $0x38;
	[tilespmem:$0x10100] =	vst v63  }
0x1a: {  	_ =	swait.ge [sflag:s6], $0x100  }
0x1b: {  	[sflag:s6] =	ssyncset.done $0x0  }
0x1c: {  	[sflag:s6] =	ssyncadd.s32 $0xFFFFFF00  }
0x1d: {  	v3 =	vld [tilespmem:$0x0];
	_ =	sdelay $0x4  }
0x1e: {  	v4 =	vshll.u32 v3, $0x1  }
0x1f: {  	v3 =	vand.u32 $0x7, v3;
	v4 =	vand.u32 $0xFFFFFFF0, v4  }
0x20: {  	v3 =	vor.u32 v3, v4  }
0x21: {  	v4 =	vperm.xlane v3, v0;
	_ =	sdelay $0x1  }
0x22: {  	v3 =	vperm.xlane v3, v2;
	v4 =	vadd.s32 v1, v4;
	_ =	sdelay $0x1  }
0x23: {  	v3 =	vadd.s32 v1, v3;
	_ =	sdelay $0x2  }
0x24: {  	[tilespmem:s7], [sflag:$0x1] =	stream.indirect_vreg.gather [hbm4b:s1+s3], $0x80, v4, vm0, $0xb8;
	[tilespmem:$0x10100] =	vst v63  }
0x25: {  	s8 =	rddreg [dreg:$0x6]  }
0x26: {  	[tilespmem:s8], [sflag:$0x1] =	stream.indirect_vreg.gather [hbm4b:s1+s3], $0x80, v3, vm0, $0xb8;
	[tilespmem:$0x10100] =	vst v63  }
0x27: {  	v3 =	vld [tilespmem:$0x10];
	_ =	sdelay $0x4  }
0x28: {  	v49 =	vshll.u32 v3, $0x1  }
0x29: {  	v3 =	vand.u32 $0x7, v3;
	v4 =	vand.u32 $0xFFFFFFF0, v49  }
0x2a: {  	v3 =	vor.u32 v3, v4  }
0x2b: {  	v4 =	vperm.xlane v3, v0;
	_ =	sdelay $0x1  }
0x2c: {  	v3 =	vperm.xlane v3, v2;
	v4 =	vadd.s32 v1, v4;
	_ =	sdelay $0x1  }
0x2d: {  	v3 =	vadd.s32 v1, v3;
	_ =	sdelay $0x1  }
0x2e: {  	s0 =	rddreg [dreg:$0x7]  }
0x2f: {  	[tilespmem:s0], [sflag:$0x1] =	stream.indirect_vreg.gather [hbm4b:s1+s3], $0x80, v4, vm0, $0xb8;
	[tilespmem:$0x10100] =	vst v63  }
0x30: {  	s8 =	rddreg [dreg:$0x8]  }
0x31: {  	[tilespmem:s8], [sflag:$0x1] =	stream.indirect_vreg.gather [hbm4b:s1+s3], $0x80, v3, vm0, $0xb8;
	[tilespmem:$0x10100] =	vst v63  }
0x32: {  	v3 =	vld [tilespmem:$0x20];
	_ =	sdelay $0x4  }
0x33: {  	v50 =	vshll.u32 v3, $0x1  }
0x34: {  	v3 =	vand.u32 $0x7, v3;
	v4 =	vand.u32 $0xFFFFFFF0, v50  }
0x35: {  	v3 =	vor.u32 v3, v4  }
0x36: {  	v4 =	vperm.xlane v3, v0;
	_ =	sdelay $0x1  }
0x37: {  	v3 =	vperm.xlane v3, v2;
	v4 =	vadd.s32 v1, v4;
	_ =	sdelay $0x1  }
0x38: {  	v3 =	vadd.s32 v1, v3;
	_ =	sdelay $0x1  }
0x39: {  	s0 =	rddreg [dreg:$0x9]  }
0x3a: {  	[tilespmem:s0], [sflag:$0x1] =	stream.indirect_vreg.gather [hbm4b:s1+s3], $0x80, v4, vm0, $0xb8;
	[tilespmem:$0x10100] =	vst v63  }
0x3b: {  	s8 =	rddreg [dreg:$0xa]  }
0x3c: {  	[tilespmem:s8], [sflag:$0x1] =	stream.indirect_vreg.gather [hbm4b:s1+s3], $0x80, v3, vm0, $0xb8;
	[tilespmem:$0x10100] =	vst v63  }
0x3d: {  	v3 =	vld [tilespmem:$0x30];
	_ =	sdelay $0x4  }
0x3e: {  	v51 =	vshll.u32 v3, $0x1  }
0x3f: {  	v3 =	vand.u32 $0x7, v3;
	v4 =	vand.u32 $0xFFFFFFF0, v51  }
0x40: {  	v3 =	vor.u32 v3, v4  }
0x41: {  	v4 =	vperm.xlane v3, v0;
	_ =	sdelay $0x1  }
0x42: {  	v3 =	vperm.xlane v3, v2;
	v4 =	vadd.s32 v1, v4;
	_ =	sdelay $0x1  }
0x43: {  	v3 =	vadd.s32 v1, v3;
	_ =	sdelay $0x1  }
0x44: {  	s0 =	rddreg [dreg:$0xb]  }
0x45: {  	[tilespmem:s0], [sflag:$0x1] =	stream.indirect_vreg.gather [hbm4b:s1+s3], $0x80, v4, vm0, $0xb8;
	[tilespmem:$0x10100] =	vst v63  }
0x46: {  	s8 =	rddreg [dreg:$0xc]  }
0x47: {  	[tilespmem:s8], [sflag:$0x1] =	stream.indirect_vreg.gather [hbm4b:s1+s3], $0x80, v3, vm0, $0xb8;
	[tilespmem:$0x10100] =	vst v63  }
0x48: {  	v3 =	vld [tilespmem:$0x40];
	_ =	sdelay $0x4  }
0x49: {  	v52 =	vshll.u32 v3, $0x1  }
0x4a: {  	v3 =	vand.u32 $0x7, v3;
	v4 =	vand.u32 $0xFFFFFFF0, v52  }
0x4b: {  	v3 =	vor.u32 v3, v4  }
0x4c: {  	v4 =	vperm.xlane v3, v0;
	_ =	sdelay $0x1  }
0x4d: {  	v3 =	vperm.xlane v3, v2;
	v4 =	vadd.s32 v1, v4;
	_ =	sdelay $0x1  }
0x4e: {  	v3 =	vadd.s32 v1, v3;
	_ =	sdelay $0x1  }
0x4f: {  	s0 =	rddreg [dreg:$0xd]  }
0x50: {  	[tilespmem:s0], [sflag:$0x1] =	stream.indirect_vreg.gather [hbm4b:s1+s3], $0x80, v4, vm0, $0xb8;
	[tilespmem:$0x10100] =	vst v63  }
0x51: {  	s8 =	rddreg [dreg:$0xe]  }
0x52: {  	[tilespmem:s8], [sflag:$0x1] =	stream.indirect_vreg.gather [hbm4b:s1+s3], $0x80, v3, vm0, $0xb8;
	[tilespmem:$0x10100] =	vst v63  }
0x53: {  	v3 =	vld [tilespmem:$0x50];
	_ =	sdelay $0x4  }
0x54: {  	v53 =	vshll.u32 v3, $0x1  }
0x55: {  	v3 =	vand.u32 $0x7, v3;
	v4 =	vand.u32 $0xFFFFFFF0, v53  }
0x56: {  	v3 =	vor.u32 v3, v4  }
0x57: {  	v4 =	vperm.xlane v3, v0;
	_ =	sdelay $0x1  }
0x58: {  	v3 =	vperm.xlane v3, v2;
	v4 =	vadd.s32 v1, v4;
	_ =	sdelay $0x1  }
0x59: {  	v3 =	vadd.s32 v1, v3;
	_ =	sdelay $0x1  }
0x5a: {  	s8 =	simm.s32 $0x5100  }
0x5b: {  	[tilespmem:s8], [sflag:$0x1] =	stream.indirect_vreg.gather [hbm4b:s1+s3], $0x80, v4, vm0, $0xb8;
	[tilespmem:$0x10100] =	vst v63  }
0x5c: {  	_ = 	snop  }
0x5d: {  	[tilespmem:s9], [sflag:$0x1] =	stream.indirect_vreg.gather [hbm4b:s1+s3], $0x80, v3, vm0, $0xb8;
	[tilespmem:$0x10100] =	vst v63  }
0x5e: {  	v3 =	vld [tilespmem:$0x60];
	_ =	sdelay $0x4  }
0x5f: {  	v54 =	vshll.u32 v3, $0x1  }
0x60: {  	v3 =	vand.u32 $0x7, v3;
	v4 =	vand.u32 $0xFFFFFFF0, v54  }
0x61: {  	v3 =	vor.u32 v3, v4  }
0x62: {  	v4 =	vperm.xlane v3, v0;
	_ =	sdelay $0x1  }
0x63: {  	v3 =	vperm.xlane v3, v2;
	v4 =	vadd.s32 v1, v4;
	_ =	sdelay $0x1  }
0x64: {  	v3 =	vadd.s32 v1, v3;
	_ =	sdelay $0x2  }
0x65: {  	[tilespmem:s10], [sflag:$0x1] =	stream.indirect_vreg.gather [hbm4b:s1+s3], $0x80, v4, vm0, $0xb8;
	[tilespmem:$0x10100] =	vst v63  }
0x66: {  	_ = 	snop  }
0x67: {  	[tilespmem:s11], [sflag:$0x1] =	stream.indirect_vreg.gather [hbm4b:s1+s3], $0x80, v3, vm0, $0xb8;
	[tilespmem:$0x10100] =	vst v63  }
0x68: {  	v3 =	vld [tilespmem:$0x70];
	_ =	sdelay $0x4  }
0x69: {  	v55 =	vshll.u32 v3, $0x1  }
0x6a: {  	v3 =	vand.u32 $0x7, v3;
	v4 =	vand.u32 $0xFFFFFFF0, v55  }
0x6b: {  	v3 =	vor.u32 v3, v4  }
0x6c: {  	v4 =	vperm.xlane v3, v0;
	_ =	sdelay $0x1  }
0x6d: {  	v3 =	vperm.xlane v3, v2;
	v4 =	vadd.s32 v1, v4;
	_ =	sdelay $0x1  }
0x6e: {  	v3 =	vadd.s32 v1, v3;
	_ =	sdelay $0x2  }
0x6f: {  	[tilespmem:s12], [sflag:$0x1] =	stream.indirect_vreg.gather [hbm4b:s1+s3], $0x80, v4, vm0, $0xb8;
	[tilespmem:$0x10100] =	vst v63  }
0x70: {  	_ = 	snop  }
0x71: {  	[tilespmem:s13], [sflag:$0x1] =	stream.indirect_vreg.gather [hbm4b:s1+s3], $0x80, v3, vm0, $0xb8;
	[tilespmem:$0x10100] =	vst v63  }
0x72: {  	v3 =	vld [tilespmem:$0x80];
	_ =	sdelay $0x4  }
0x73: {  	v56 =	vshll.u32 v3, $0x1  }
0x74: {  	v3 =	vand.u32 $0x7, v3;
	v4 =	vand.u32 $0xFFFFFFF0, v56  }
0x75: {  	v3 =	vor.u32 v3, v4  }
0x76: {  	v4 =	vperm.xlane v3, v0;
	_ =	sdelay $0x1  }
0x77: {  	v3 =	vperm.xlane v3, v2;
	v4 =	vadd.s32 v1, v4;
	_ =	sdelay $0x1  }
0x78: {  	v3 =	vadd.s32 v1, v3;
	_ =	sdelay $0x2  }
0x79: {  	[tilespmem:s14], [sflag:$0x1] =	stream.indirect_vreg.gather [hbm4b:s1+s3], $0x80, v4, vm0, $0xb8;
	[tilespmem:$0x10100] =	vst v63  }
0x7a: {  	_ = 	snop  }
0x7b: {  	[tilespmem:s15], [sflag:$0x1] =	stream.indirect_vreg.gather [hbm4b:s1+s3], $0x80, v3, vm0, $0xb8;
	[tilespmem:$0x10100] =	vst v63  }
0x7c: {  	v3 =	vld [tilespmem:$0x90];
	_ =	sdelay $0x4  }
0x7d: {  	v57 =	vshll.u32 v3, $0x1  }
0x7e: {  	v3 =	vand.u32 $0x7, v3;
	v4 =	vand.u32 $0xFFFFFFF0, v57  }
0x7f: {  	v3 =	vor.u32 v3, v4  }
0x80: {  	v4 =	vperm.xlane v3, v0;
	_ =	sdelay $0x1  }
0x81: {  	v3 =	vperm.xlane v3, v2;
	v4 =	vadd.s32 v1, v4;
	_ =	sdelay $0x1  }
0x82: {  	v3 =	vadd.s32 v1, v3;
	_ =	sdelay $0x2  }
0x83: {  	[tilespmem:s16], [sflag:$0x1] =	stream.indirect_vreg.gather [hbm4b:s1+s3], $0x80, v4, vm0, $0xb8;
	[tilespmem:$0x10100] =	vst v63  }
0x84: {  	_ = 	snop  }
0x85: {  	[tilespmem:s17], [sflag:$0x1] =	stream.indirect_vreg.gather [hbm4b:s1+s3], $0x80, v3, vm0, $0xb8;
	[tilespmem:$0x10100] =	vst v63  }
0x86: {  	v3 =	vld [tilespmem:$0xA0];
	_ =	sdelay $0x4  }
0x87: {  	v58 =	vshll.u32 v3, $0x1  }
0x88: {  	v3 =	vand.u32 $0x7, v3;
	v4 =	vand.u32 $0xFFFFFFF0, v58  }
0x89: {  	v3 =	vor.u32 v3, v4  }
0x8a: {  	v4 =	vperm.xlane v3, v0;
	_ =	sdelay $0x1  }
0x8b: {  	v3 =	vperm.xlane v3, v2;
	v4 =	vadd.s32 v1, v4;
	_ =	sdelay $0x1  }
0x8c: {  	v3 =	vadd.s32 v1, v3;
	_ =	sdelay $0x2  }
0x8d: {  	[tilespmem:s18], [sflag:$0x1] =	stream.indirect_vreg.gather [hbm4b:s1+s3], $0x80, v4, vm0, $0xb8;
	[tilespmem:$0x10100] =	vst v63  }
0x8e: {  	_ = 	snop  }
0x8f: {  	[tilespmem:s19], [sflag:$0x1] =	stream.indirect_vreg.gather [hbm4b:s1+s3], $0x80, v3, vm0, $0xb8;
	[tilespmem:$0x10100] =	vst v63  }
0x90: {  	v3 =	vld [tilespmem:$0xB0];
	_ =	sdelay $0x4  }
0x91: {  	v59 =	vshll.u32 v3, $0x1  }
0x92: {  	v3 =	vand.u32 $0x7, v3;
	v4 =	vand.u32 $0xFFFFFFF0, v59  }
0x93: {  	v3 =	vor.u32 v3, v4  }
0x94: {  	v4 =	vperm.xlane v3, v0;
	_ =	sdelay $0x1  }
0x95: {  	v3 =	vperm.xlane v3, v2;
	v4 =	vadd.s32 v1, v4;
	_ =	sdelay $0x1  }
0x96: {  	v3 =	vadd.s32 v1, v3;
	_ =	sdelay $0x2  }
0x97: {  	[tilespmem:s20], [sflag:$0x1] =	stream.indirect_vreg.gather [hbm4b:s1+s3], $0x80, v4, vm0, $0xb8;
	[tilespmem:$0x10100] =	vst v63  }
0x98: {  	_ = 	snop  }
0x99: {  	[tilespmem:s21], [sflag:$0x1] =	stream.indirect_vreg.gather [hbm4b:s1+s3], $0x80, v3, vm0, $0xb8;
	[tilespmem:$0x10100] =	vst v63  }
0x9a: {  	v3 =	vld [tilespmem:$0xC0];
	_ =	sdelay $0x4  }
0x9b: {  	v60 =	vshll.u32 v3, $0x1  }
0x9c: {  	v3 =	vand.u32 $0x7, v3;
	v4 =	vand.u32 $0xFFFFFFF0, v60  }
0x9d: {  	v3 =	vor.u32 v3, v4  }
0x9e: {  	v4 =	vperm.xlane v3, v0;
	_ =	sdelay $0x1  }
0x9f: {  	v3 =	vperm.xlane v3, v2;
	v4 =	vadd.s32 v1, v4;
	_ =	sdelay $0x1  }
0xa0: {  	v3 =	vadd.s32 v1, v3;
	_ =	sdelay $0x2  }
0xa1: {  	[tilespmem:s22], [sflag:$0x1] =	stream.indirect_vreg.gather [hbm4b:s1+s3], $0x80, v4, vm0, $0xb8;
	[tilespmem:$0x10100] =	vst v63  }
0xa2: {  	_ = 	snop  }
0xa3: {  	[tilespmem:s23], [sflag:$0x1] =	stream.indirect_vreg.gather [hbm4b:s1+s3], $0x80, v3, vm0, $0xb8;
	[tilespmem:$0x10100] =	vst v63  }
0xa4: {  	v3 =	vld [tilespmem:$0xD0];
	_ =	sdelay $0x4  }
0xa5: {  	v61 =	vshll.u32 v3, $0x1  }
0xa6: {  	v3 =	vand.u32 $0x7, v3;
	v4 =	vand.u32 $0xFFFFFFF0, v61  }
0xa7: {  	v3 =	vor.u32 v3, v4  }
0xa8: {  	v4 =	vperm.xlane v3, v0;
	_ =	sdelay $0x1  }
0xa9: {  	v3 =	vperm.xlane v3, v2;
	v4 =	vadd.s32 v1, v4;
	_ =	sdelay $0x1  }
0xaa: {  	v3 =	vadd.s32 v1, v3;
	_ =	sdelay $0x2  }
0xab: {  	[tilespmem:s24], [sflag:$0x1] =	stream.indirect_vreg.gather [hbm4b:s1+s3], $0x80, v4, vm0, $0xb8;
	[tilespmem:$0x10100] =	vst v63  }
0xac: {  	_ = 	snop  }
0xad: {  	[tilespmem:s25], [sflag:$0x1] =	stream.indirect_vreg.gather [hbm4b:s1+s3], $0x80, v3, vm0, $0xb8;
	[tilespmem:$0x10100] =	vst v63  }
0xae: {  	v3 =	vld [tilespmem:$0xE0];
	_ =	sdelay $0x4  }
0xaf: {  	v62 =	vshll.u32 v3, $0x1  }
0xb0: {  	v3 =	vand.u32 $0x7, v3;
	v4 =	vand.u32 $0xFFFFFFF0, v62  }
0xb1: {  	v3 =	vor.u32 v3, v4  }
0xb2: {  	v4 =	vperm.xlane v3, v0;
	_ =	sdelay $0x1  }
0xb3: {  	v3 =	vperm.xlane v3, v2;
	v4 =	vadd.s32 v1, v4;
	_ =	sdelay $0x1  }
0xb4: {  	v3 =	vadd.s32 v1, v3;
	_ =	sdelay $0x2  }
0xb5: {  	[tilespmem:s26], [sflag:$0x1] =	stream.indirect_vreg.gather [hbm4b:s1+s3], $0x80, v4, vm0, $0xb8;
	[tilespmem:$0x10100] =	vst v63  }
0xb6: {  	_ = 	snop  }
0xb7: {  	[tilespmem:s28], [sflag:$0x1] =	stream.indirect_vreg.gather [hbm4b:s1+s3], $0x80, v3, vm0, $0xb8;
	[tilespmem:$0x10100] =	vst v63  }
0xb8: {  	v3 =	vld [tilespmem:$0xF0];
	_ =	sdelay $0x4  }
0xb9: {  	v63 =	vshll.u32 v3, $0x1  }
0xba: {  	v3 =	vand.u32 $0x7, v3;
	v4 =	vand.u32 $0xFFFFFFF0, v63  }
0xbb: {  	v3 =	vor.u32 v3, v4  }
0xbc: {  	v4 =	vperm.xlane v3, v0;
	_ =	sdelay $0x1  }
0xbd: {  	v3 =	vperm.xlane v3, v2;
	v4 =	vadd.s32 v1, v4;
	_ =	sdelay $0x1  }
0xbe: {  	v3 =	vadd.s32 v1, v3;
	_ =	sdelay $0x2  }
0xbf: {  	[tilespmem:s29], [sflag:$0x1] =	stream.indirect_vreg.gather [hbm4b:s1+s3], $0x80, v4, vm0, $0xb8;
	[tilespmem:$0x10100] =	vst v63  }
0xc0: {  	_ = 	snop  }
0xc1: {  	[tilespmem:s30], [sflag:$0x1] =	stream.indirect_vreg.gather [hbm4b:s1+s3], $0x80, v3, vm0, $0xb8;
	[tilespmem:$0x10100] =	vst v63  }
0xc2: {  	_ =	swait.ge [sflag:s31], $0x8000  }
0xc3: {  	[sflag:s31] =	ssyncset.done $0x0  }
0xc4: {  	[sflag:s31] =	ssyncadd.s32 $0xFFFF8000  }
0xc5: {  	[hbm4b:s4+s3] =	stream.linear.scatter [tilespmem:s7], [sflag:$0x2], $0x8000, $0x38;
	[tilespmem:$0x10100] =	vst v63  }
0xc6: {  	_ =	swait.ge [sflag:s31], $0x8000  }
0xc7: {  	[sflag:s31] =	ssyncset.done $0x0  }
0xc8: {  	s8 =	rddreg [dreg:$0x5];
	[sflag:s31] =	ssyncadd.s32 $0xFFFF8000  }
0xc9: {  	[hbm4b:s8+s3] =	stream.linear.scatter [tilespmem:s14], [sflag:$0x2], $0x8000, $0x38;
	[tilespmem:$0x10100] =	vst v63  }
0xca: {  	p0 =	sne.s32 s5, $0x1;
	_ =	swait.ge [sflag:s2], $0x8000  }
.Ltmp0:
0xcb: {  	[sflag:s2] =	ssyncset.done $0x0;
	(pc) =	sbr.rel @p0 .LBB2_1-.Ltmp0, $4  }
0xcc: {  	[sflag:s2] =	ssyncadd.s32 $0xFFFF8000  }
0xcd: {  	_ =	swait.ge [sflag:s2], $0x8000  }
0xce: {  	[sflag:s2] =	ssyncset.done $0x0  }
0xcf: {  	s5 =	sadd.s32 $0xFFFFFFFF, s5;
	[sflag:s2] =	ssyncadd.s32 $0xFFFF8000  }
0xd0: {  	_ =	sfence.sel $0x180000  }
0xd1: {  	[bflag:$0x0] =	sbarrier.arrive $0xFFFF  }
0xd2: {  	_ =	strace $0x90000047  }
0xd3: {  	s0 =	stileid.u32;
	[bflag:$0x2] =	sbarrier.arrive $0xFFFF  }
0xd4: {  	p0 =	sne.s32 s0, $0x0;
	s0 =	rddreg [dreg:$0x3]  }
0xd5: {  	s0 =	sadd.s32 @!p0 $0x100000, s0  }
0xd6: {  	[sflag:s0] =	ssyncadd.tile.s32 @!p0 $0x1;
	_ =	shalt  }
.Lfunc_end2:
_tile_overlayer_lowered:
.L_overlay_start_2:
0xd7: {  	(tag) =	ssettag $0x2  }
0xd8: {  	s0 =	rddreg [dreg:$0x0];
	s2 =	stileid.u32  }
0xd9: {  	s1 =	rddreg [dreg:$0x1];
	p0 =	sne.s32 s2, $0x0  }
0xda: {  	s3 =	rddreg [dreg:$0x2];
	[bflag:$0x3] =	sbarrier.arrive $0xFFFF;
	s2 =	simm.s32 @!p0 $0x1C03  }
0xdb: {  	[timem:s3], [sflag:s2] =	dma.local @!p0 [hbm:s0], s1  }
0xdc: {  	s0 =	simm.s32 @!p0 $0x3  }
0xdd: {  	_ =	swait.ge @!p0 [sflag:s0], s1  }
0xde: {  	s1 =	ssub.s32 @!p0 $0x0, s1;
	[sflag:s0] =	ssyncset.done @!p0 $0x0  }
0xdf: {  	[sflag:s0] =	ssyncadd.s32 @!p0 s1  }
0xe0: {  	[bflag:$0x3] =	sbarrier.arrive $0xFFFF  }
0xe1: {  	_ =	shalt  }

</sc_bundles>
